<compile_context>
chip_gen: v7x
topology: tpu7x:2x2x1
jax: 0.10.2.dev20260603
libtpu: 0.0.44.dev20260713+nightly
codegen_flags: <defaults>
</compile_context>

<pallas_src>
import functools

import jax
import jax.numpy as jnp
from jax import lax
from jax.experimental import pallas as pl
from jax.experimental.pallas import tpu as pltpu
from jax.experimental.pallas import tpu_sc as plsc

N = 10000
D = 128
E = 320000
DE = 144
NS = 16
NC = 2
CHUNK = 128
G = 4
C = 160
NG = C // G
EP = C * NS * CHUNK
CTOT = C * NS
N_ACC = 10128
DUMMY = N
R_ACC = N_ACC // NS
R_OUT = N // NS
BLK = 2000


def _hh_block(x, v_raw, a):
    nrm = jnp.sqrt(jnp.sum(v_raw * v_raw, axis=1, keepdims=True)) + 1e-6
    v = v_raw / nrm
    sp = jax.nn.softplus(a)
    return sp * (x - 2.0 * v * jnp.sum(v * x, axis=1, keepdims=True))


def _pre_body(x_r, vs_r, as_r, vt_r, at_r, tab_r):
    x = x_r[...]
    ones = jnp.ones((BLK, 1), jnp.float32)
    zer = jnp.zeros((BLK, DE - D - 1), jnp.float32)
    g = _hh_block(x, vs_r[...], as_r[...])
    h = _hh_block(x, vt_r[...], at_r[...])
    tab_r[0] = jnp.concatenate([g, ones, zer], axis=1)
    tab_r[1] = jnp.concatenate([h, ones, zer], axis=1)


def _pre(x, v_src, a_src, v_tgt, a_tgt):
    nblk = N // BLK
    row = lambda i: (i, 0)
    return pl.pallas_call(
        _pre_body,
        grid=(nblk,),
        in_specs=[
            pl.BlockSpec((BLK, D), row),
            pl.BlockSpec((BLK, D), row),
            pl.BlockSpec((BLK, 1), row),
            pl.BlockSpec((BLK, D), row),
            pl.BlockSpec((BLK, 1), row),
        ],
        out_specs=pl.BlockSpec((2, BLK, DE), lambda i: (0, i, 0)),
        out_shape=jax.ShapeDtypeStruct((2, N, DE), jnp.float32),
    )(x, v_src, a_src, v_tgt, a_tgt)


def _post_body(x_r, ao_r, ai_r, vs_r, as_r, vt_r, at_r,
               wo_r, wi_r, wf_r, b_r, eo_r, ei_r, out_r):
    x = x_r[...]
    co = ao_r[0, :, D:D + 1]
    ci = ai_r[0, :, D:D + 1]
    SA = _hh_block(ao_r[0, :, :D], vs_r[...], as_r[...])
    TA = _hh_block(ai_r[0, :, :D], vt_r[...], at_r[...])
    L_out = (co * x - SA) / jnp.maximum(co, 1.0)
    L_in = (ci * x - TA) / jnp.maximum(ci, 1.0)
    y = (x
         - eo_r[0, 0] * jnp.dot(L_out, wo_r[...], preferred_element_type=jnp.float32)
         - ei_r[0, 0] * jnp.dot(L_in, wi_r[...], preferred_element_type=jnp.float32))
    out_r[...] = jnp.maximum(
        jnp.dot(y, wf_r[...], preferred_element_type=jnp.float32) + b_r[...], 0.0)


def _post(x, A, v_src, a_src, v_tgt, a_tgt, woT, wiT, wfT, b, eo, ei):
    nblk = N // BLK
    row = lambda i: (i, 0)
    fixed = lambda i: (0, 0)
    return pl.pallas_call(
        _post_body,
        grid=(nblk,),
        in_specs=[
            pl.BlockSpec((BLK, D), row),
            pl.BlockSpec((1, BLK, DE), lambda i: (0, i, 0)),
            pl.BlockSpec((1, BLK, DE), lambda i: (1, i, 0)),
            pl.BlockSpec((BLK, D), row),
            pl.BlockSpec((BLK, 1), row),
            pl.BlockSpec((BLK, D), row),
            pl.BlockSpec((BLK, 1), row),
            pl.BlockSpec((D, D), fixed),
            pl.BlockSpec((D, D), fixed),
            pl.BlockSpec((D, D), fixed),
            pl.BlockSpec((1, D), fixed),
            pl.BlockSpec((1, 1), fixed),
            pl.BlockSpec((1, 1), fixed),
        ],
        out_specs=pl.BlockSpec((BLK, D), row),
        out_shape=jax.ShapeDtypeStruct((N, D), jnp.float32),
    )(x, A, A, v_src, a_src, v_tgt, a_tgt, woT, wiT, wfT, b, eo, ei)


def _sc_body(tab_hbm, idx_hbm, z_hbm, out_hbm,
             islot0, islot1, buf0, buf1, dummy_v, acc,
             semi0, semi1, semg0, semg1, sems0, sems1):
    c = lax.axis_index("c")
    sid = lax.axis_index("s")
    base = sid * C
    pltpu.sync_copy(z_hbm, acc.at[pl.ds(sid * R_ACC, R_ACC)])
    for k in range(CHUNK // 16):
        dummy_v[pl.ds(16 * k, 16)] = DUMMY + 16 * k + lax.iota(jnp.int32, 16)
    plsc.subcore_barrier()

    idx = idx_hbm.at[c]
    bufs = (buf0, buf1)
    semg = (semg0, semg1)
    sems = (sems0, sems1)

    def drain(dst_ref, sem):
        pltpu.make_async_copy(tab_hbm.at[pl.ds(0, CHUNK)], dst_ref, sem).wait()

    pltpu.async_copy(idx.at[pl.ds(base, G)], islot0, semi0).wait()
    pltpu.async_copy(idx.at[pl.ds(base + G, G)], islot1, semi1)
    pltpu.async_copy(buf1, acc.at[dummy_v], sems1, add=True)
    pltpu.async_copy(tab_hbm.at[islot0.at[0, 0]], buf0, semg0)

    def group(g, slot_cur, slot_nxt, semi_cur, semi_nxt, last):
        for k in range(G):
            p = k % 2
            drain(bufs[p], semg[p])
            pltpu.async_copy(bufs[p], acc.at[slot_cur.at[k, 1]],
                             sems[p], add=True)
            drain(bufs[1 - p], sems[1 - p])
            if k < G - 1:
                pltpu.async_copy(tab_hbm.at[slot_cur.at[k + 1, 0]],
                                 bufs[1 - p], semg[1 - p])
            else:
                def next_head():
                    pltpu.make_async_copy(idx.at[pl.ds(0, G)],
                                          slot_nxt, semi_nxt).wait()
                    pltpu.async_copy(tab_hbm.at[slot_nxt.at[0, 0]],
                                     bufs[1 - p], semg[1 - p])
                if last is None:
                    next_head()
                else:
                    pl.when(jnp.logical_not(last))(next_head)
        @pl.when(g + 2 < NG)
        def _():
            pltpu.async_copy(idx.at[pl.ds(base + (g + 2) * G, G)],
                             slot_cur, semi_cur)

    def body(i, carry):
        g0 = 2 * i
        group(g0, islot0, islot1, semi0, semi1, None)
        group(g0 + 1, islot1, islot0, semi1, semi0, g0 + 1 == NG - 1)
        return carry

    lax.fori_loop(0, NG // 2, body, 0)
    drain(bufs[(C - 1) % 2], sems[(C - 1) % 2])
    plsc.subcore_barrier()
    pltpu.sync_copy(acc.at[pl.ds(sid * R_OUT, R_OUT)],
                    out_hbm.at[c].at[pl.ds(sid * R_OUT, R_OUT)])


@functools.lru_cache(maxsize=None)
def _sc_call():
    return functools.partial(
        pl.kernel,
        mesh=plsc.VectorSubcoreMesh(core_axis_name="c", subcore_axis_name="s"),
        compiler_params=pltpu.CompilerParams(use_tc_tiling_on_sc=False),
        out_type=jax.ShapeDtypeStruct((NC, N, DE), jnp.float32),
        scratch_types=[
            pltpu.VMEM((G, 2, CHUNK), jnp.int32),
            pltpu.VMEM((G, 2, CHUNK), jnp.int32),
            pltpu.VMEM((CHUNK, DE), jnp.float32),
            pltpu.VMEM((CHUNK, DE), jnp.float32),
            pltpu.VMEM((CHUNK,), jnp.int32),
            pltpu.VMEM_SHARED((N_ACC, DE), jnp.float32),
            pltpu.SemaphoreType.DMA,
            pltpu.SemaphoreType.DMA,
            pltpu.SemaphoreType.DMA,
            pltpu.SemaphoreType.DMA,
            pltpu.SemaphoreType.DMA,
            pltpu.SemaphoreType.DMA,
        ],
    )(_sc_body)


def kernel(x, edge_index, v_src, v_tgt, alpha_src, alpha_tgt,
           W_out, W_in, W_feat, b_feat, eps_out, eps_in):
    a_src = alpha_src.reshape(N, 1)
    a_tgt = alpha_tgt.reshape(N, 1)
    tab = _pre(x, v_src, a_src, v_tgt, a_tgt).reshape(2 * N, DE)

    src = edge_index[0]
    dst = edge_index[1]
    pad = EP - E
    zpad = (jnp.arange(pad, dtype=jnp.int32) * 61) % N
    dpad = DUMMY + (jnp.arange(pad, dtype=jnp.int32) % (N_ACC - N))
    gidx = jnp.stack([
        jnp.concatenate([dst, zpad]),
        jnp.concatenate([src + N, zpad]),
    ]).reshape(NC, CTOT, CHUNK)
    sidx = jnp.stack([
        jnp.concatenate([src, dpad]),
        jnp.concatenate([dst, dpad]),
    ]).reshape(NC, CTOT, CHUNK)
    idx = jnp.stack([gidx, sidx], axis=2)
    zacc = jnp.zeros((R_ACC, DE), jnp.float32)

    A = _sc_call()(tab, idx, zacc)

    out = _post(x, A, v_src, a_src, v_tgt, a_tgt,
                W_out.T, W_in.T, W_feat.T, b_feat.reshape(1, D),
                eps_out.reshape(1, 1), eps_in.reshape(1, 1))
    return out

# --- scband reference (transcript-rebuilt; emitter-appended) ---
"""Pipeline reference for scband-csnnlayer-63806034149908 (READ-ONLY COPY).

The authoritative reference and input builder live on the scoring server;
editing this copy changes nothing except your own understanding.
"""

import jax, jax.numpy as jnp
import numpy as np

N, D, E = 10000, 128, 320000

def setup_inputs(seed: int = 0) -> dict:
    key = jax.random.key(seed)
    ks = jax.random.split(key, 10)
    x = jax.random.normal(ks[0], (N, D), dtype=jnp.float32)
    edge_index = jax.random.randint(ks[1], (2, E), 0, N, dtype=jnp.int32)
    v_src = jax.random.normal(ks[2], (N, D), dtype=jnp.float32)
    v_tgt = jax.random.normal(ks[3], (N, D), dtype=jnp.float32)
    alpha_src = jnp.zeros((N,), dtype=jnp.float32)
    alpha_tgt = jnp.zeros((N,), dtype=jnp.float32)
    sc = 1.0 / np.sqrt(D)
    W_out = jax.random.normal(ks[4], (D, D), dtype=jnp.float32) * sc
    W_in = jax.random.normal(ks[5], (D, D), dtype=jnp.float32) * sc
    W_feat = jax.random.normal(ks[6], (D, D), dtype=jnp.float32) * sc
    b_feat = jnp.zeros((D,), dtype=jnp.float32)
    eps_out = jnp.asarray(0.1, dtype=jnp.float32)
    eps_in = jnp.asarray(0.1, dtype=jnp.float32)
    return {"x": x, "edge_index": edge_index, "v_src": v_src, "v_tgt": v_tgt,
            "alpha_src": alpha_src, "alpha_tgt": alpha_tgt, "W_out": W_out,
            "W_in": W_in, "W_feat": W_feat, "b_feat": b_feat,
            "eps_out": eps_out, "eps_in": eps_in}

def _hh_apply(v, s, y):
    # Applies the conformal Householder map s*(I - 2 v v^T) to rows of y.
    # Mathematically identical to forming the [*, d, d] matrix and matvec-ing,
    # since (I - 2 v v^T) is symmetric (so transpose application is the same).
    return s[:, None] * (y - 2.0 * v * jnp.sum(v * y, axis=-1, keepdims=True))

def reference(x, edge_index, v_src, v_tgt, alpha_src, alpha_tgt, W_out, W_in, W_feat, b_feat, eps_out, eps_in):
    n, d = x.shape
    src = edge_index[0]
    dst = edge_index[1]
    deg_out = jnp.maximum(jnp.bincount(src, length=n).astype(jnp.float32), 1.0)
    deg_in = jnp.maximum(jnp.bincount(dst, length=n).astype(jnp.float32), 1.0)
    # conformal maps (factored Householder)
    vs = v_src / (jnp.linalg.norm(v_src, axis=-1, keepdims=True) + 1e-6)
    s = jax.nn.softplus(alpha_src)
    vt = v_tgt / (jnp.linalg.norm(v_tgt, axis=-1, keepdims=True) + 1e-6)
    t = jax.nn.softplus(alpha_tgt)
    x_src = x[src]
    x_dst = x[dst]
    # L_out: contributions accumulated at src nodes
    Sj_xj = _hh_apply(vs[dst], s[dst], x_dst)          # S_dst @ x_dst
    Sj_xj_to_i = _hh_apply(vs[src], s[src], Sj_xj)     # S_src^T @ (...) ; S symmetric up to scale
    contrib_out = x_src - Sj_xj_to_i
    L_out_x = jax.ops.segment_sum(contrib_out, src, num_segments=n) / deg_out[:, None]
    # L_in^T: contributions accumulated at dst nodes
    Ti_xi = _hh_apply(vt[src], t[src], x_src)          # T_src @ x_src
    Ti_xi_to_j = _hh_apply(vt[dst], t[dst], Ti_xi)     # T_dst^T @ (...)
    contrib_in = x_dst - Ti_xi_to_j
    L_inT_x = jax.ops.segment_sum(contrib_in, dst, num_segments=n) / deg_in[:, None]
    update_out = L_out_x @ W_out.T
    update_in = L_inT_x @ W_in.T
    x_new = x - eps_out * update_out - eps_in * update_in
    x_new = jax.nn.relu(x_new @ W_feat.T + b_feat)
    return x_new

if __name__ == "__main__":
    import jax
    _d = setup_inputs()
    print(jax.jit(kernel)(*tuple(_d.values())))

</pallas_src>

<mosaic_0001>
#map = affine_map<(d0, d1) -> (0, 0)>
#map1 = affine_map<(d0, d1) -> (0, 0, 0, 0)>
#map2 = affine_map<(d0, d1) -> (0, 0, 0)>
module attributes {stable_mosaic.version = 14 : i64} {
  func.func @_sc_body(%arg0: i32, %arg1: i32, %arg2: memref<20000x144xf32, #tpu.memory_space<hbm>>, %arg3: memref<2x2560x2x128xi32, #tpu.memory_space<hbm>>, %arg4: memref<633x144xf32, #tpu.memory_space<hbm>>, %arg5: memref<2x10000x144xf32, #tpu.memory_space<hbm>>, %arg6: memref<4x2x128xi32, #tpu.memory_space<vmem>>, %arg7: memref<4x2x128xi32, #tpu.memory_space<vmem>>, %arg8: memref<128x144xf32, #tpu.memory_space<vmem>>, %arg9: memref<128x144xf32, #tpu.memory_space<vmem>>, %arg10: memref<128xi32, #tpu.memory_space<vmem>>, %arg11: memref<10128x144xf32, #tpu.memory_space<vmem_shared>>, %arg12: memref<!tpu.dma_semaphore, #tpu.memory_space<semaphore_mem>>, %arg13: memref<!tpu.dma_semaphore, #tpu.memory_space<semaphore_mem>>, %arg14: memref<!tpu.dma_semaphore, #tpu.memory_space<semaphore_mem>>, %arg15: memref<!tpu.dma_semaphore, #tpu.memory_space<semaphore_mem>>, %arg16: memref<!tpu.dma_semaphore, #tpu.memory_space<semaphore_mem>>, %arg17: memref<!tpu.dma_semaphore, #tpu.memory_space<semaphore_mem>>) attributes {dimension_semantics = [#tpu.dimension_semantics<core_parallel>, #tpu.dimension_semantics<subcore_parallel>], iteration_bounds = array<i64: 2, 16>, scalar_prefetch = 0 : i64, scratch_operands = 12 : i64, tpu.core_type = #tpu.core_type<sc_vector_subcore>, window_params = [{transform_indices = #map}, {transform_indices = #map1}, {transform_indices = #map}, {transform_indices = #map2}]} {
    %mul3A = arith.constant 160 : i32
    %mul3A_0 = arith.muli %arg1, %mul3A : i32
    %mul3A_1 = arith.constant 633 : i32
    %mul3A_2 = arith.muli %arg1, %mul3A_1 : i32
    "tpu.region"() ({
      %run_scoped3A = tpu.sem_alloc : memref<!tpu.dma_semaphore, #tpu.memory_space<semaphore_mem>>
      %dma_start3A_139 = arith.constant 0 : i32
      %dma_start3A_140 = tpu.memref_slice %arg11[%mul3A_2, %dma_start3A_139] : memref<10128x144xf32, #tpu.memory_space<vmem_shared>> -> memref<633x144xf32, #tpu.memory_space<vmem_shared>>
      tpu.enqueue_dma source(%arg4 : memref<633x144xf32, #tpu.memory_space<hbm>>) target(%dma_start3A_140 : memref<633x144xf32, #tpu.memory_space<vmem_shared>>) target_semaphore(%run_scoped3A : memref<!tpu.dma_semaphore, #tpu.memory_space<semaphore_mem>>)
      %dma_wait3A_141 = arith.constant 0 : i32
      %dma_wait3A_142 = tpu.memref_slice %arg11[%mul3A_2, %dma_wait3A_141] : memref<10128x144xf32, #tpu.memory_space<vmem_shared>> -> memref<633x144xf32, #tpu.memory_space<vmem_shared>>
      tpu.wait_dma2 semaphore(%run_scoped3A : memref<!tpu.dma_semaphore, #tpu.memory_space<semaphore_mem>>) src(%arg4 : memref<633x144xf32, #tpu.memory_space<hbm>>) dst(%dma_wait3A_142 : memref<633x144xf32, #tpu.memory_space<vmem_shared>>)
      tpu.yield
    }) : () -> ()
    %iota3A = tpu.iota {dimensions = array<i32: 0>} : vector<16xi32>
    %add3A = arith.constant 10000 : i32
    %add3A_3 = vector.broadcast %add3A : i32 to vector<16xi32>
    %add3A_4 = arith.addi %add3A_3, %iota3A : vector<16xi32>
    %swap3A = arith.constant 0 : index
    %swap3A_5 = tpu.vector_load %arg10[%swap3A] {strides = array<i32>} : memref<128xi32, #tpu.memory_space<vmem>>, vector<16xi32>,
    %swap3A_6 = vector.shape_cast %swap3A_5 : vector<16xi32> to vector<16xi32>
    %swap3A_7 = vector.shape_cast %add3A_4 : vector<16xi32> to vector<16xi32>
    tpu.vector_store %arg10[%swap3A], %swap3A_7 {strides = array<i32>} : memref<128xi32, #tpu.memory_space<vmem>>, vector<16xi32>,
    %iota3A_8 = tpu.iota {dimensions = array<i32: 0>} : vector<16xi32>
    %add3A_9 = arith.constant 10016 : i32
    %add3A_10 = vector.broadcast %add3A_9 : i32 to vector<16xi32>
    %add3A_11 = arith.addi %add3A_10, %iota3A_8 : vector<16xi32>
    %swap3A_12 = arith.constant 16 : index
    %swap3A_13 = tpu.vector_load %arg10[%swap3A_12] {strides = array<i32>} : memref<128xi32, #tpu.memory_space<vmem>>, vector<16xi32>,
    %swap3A_14 = vector.shape_cast %swap3A_13 : vector<16xi32> to vector<16xi32>
    %swap3A_15 = vector.shape_cast %add3A_11 : vector<16xi32> to vector<16xi32>
    tpu.vector_store %arg10[%swap3A_12], %swap3A_15 {strides = array<i32>} : memref<128xi32, #tpu.memory_space<vmem>>, vector<16xi32>,
    %iota3A_16 = tpu.iota {dimensions = array<i32: 0>} : vector<16xi32>
    %add3A_17 = arith.constant 10032 : i32
    %add3A_18 = vector.broadcast %add3A_17 : i32 to vector<16xi32>
    %add3A_19 = arith.addi %add3A_18, %iota3A_16 : vector<16xi32>
    %swap3A_20 = arith.constant 32 : index
    %swap3A_21 = tpu.vector_load %arg10[%swap3A_20] {strides = array<i32>} : memref<128xi32, #tpu.memory_space<vmem>>, vector<16xi32>,
    %swap3A_22 = vector.shape_cast %swap3A_21 : vector<16xi32> to vector<16xi32>
    %swap3A_23 = vector.shape_cast %add3A_19 : vector<16xi32> to vector<16xi32>
    tpu.vector_store %arg10[%swap3A_20], %swap3A_23 {strides = array<i32>} : memref<128xi32, #tpu.memory_space<vmem>>, vector<16xi32>,
    %iota3A_24 = tpu.iota {dimensions = array<i32: 0>} : vector<16xi32>
    %add3A_25 = arith.constant 10048 : i32
    %add3A_26 = vector.broadcast %add3A_25 : i32 to vector<16xi32>
    %add3A_27 = arith.addi %add3A_26, %iota3A_24 : vector<16xi32>
    %swap3A_28 = arith.constant 48 : index
    %swap3A_29 = tpu.vector_load %arg10[%swap3A_28] {strides = array<i32>} : memref<128xi32, #tpu.memory_space<vmem>>, vector<16xi32>,
    %swap3A_30 = vector.shape_cast %swap3A_29 : vector<16xi32> to vector<16xi32>
    %swap3A_31 = vector.shape_cast %add3A_27 : vector<16xi32> to vector<16xi32>
    tpu.vector_store %arg10[%swap3A_28], %swap3A_31 {strides = array<i32>} : memref<128xi32, #tpu.memory_space<vmem>>, vector<16xi32>,
    %iota3A_32 = tpu.iota {dimensions = array<i32: 0>} : vector<16xi32>
    %add3A_33 = arith.constant 10064 : i32
    %add3A_34 = vector.broadcast %add3A_33 : i32 to vector<16xi32>
    %add3A_35 = arith.addi %add3A_34, %iota3A_32 : vector<16xi32>
    %swap3A_36 = arith.constant 64 : index
    %swap3A_37 = tpu.vector_load %arg10[%swap3A_36] {strides = array<i32>} : memref<128xi32, #tpu.memory_space<vmem>>, vector<16xi32>,
    %swap3A_38 = vector.shape_cast %swap3A_37 : vector<16xi32> to vector<16xi32>
    %swap3A_39 = vector.shape_cast %add3A_35 : vector<16xi32> to vector<16xi32>
    tpu.vector_store %arg10[%swap3A_36], %swap3A_39 {strides = array<i32>} : memref<128xi32, #tpu.memory_space<vmem>>, vector<16xi32>,
    %iota3A_40 = tpu.iota {dimensions = array<i32: 0>} : vector<16xi32>
    %add3A_41 = arith.constant 10080 : i32
    %add3A_42 = vector.broadcast %add3A_41 : i32 to vector<16xi32>
    %add3A_43 = arith.addi %add3A_42, %iota3A_40 : vector<16xi32>
    %swap3A_44 = arith.constant 80 : index
    %swap3A_45 = tpu.vector_load %arg10[%swap3A_44] {strides = array<i32>} : memref<128xi32, #tpu.memory_space<vmem>>, vector<16xi32>,
    %swap3A_46 = vector.shape_cast %swap3A_45 : vector<16xi32> to vector<16xi32>
    %swap3A_47 = vector.shape_cast %add3A_43 : vector<16xi32> to vector<16xi32>
    tpu.vector_store %arg10[%swap3A_44], %swap3A_47 {strides = array<i32>} : memref<128xi32, #tpu.memory_space<vmem>>, vector<16xi32>,
    %iota3A_48 = tpu.iota {dimensions = array<i32: 0>} : vector<16xi32>
    %add3A_49 = arith.constant 10096 : i32
    %add3A_50 = vector.broadcast %add3A_49 : i32 to vector<16xi32>
    %add3A_51 = arith.addi %add3A_50, %iota3A_48 : vector<16xi32>
    %swap3A_52 = arith.constant 96 : index
    %swap3A_53 = tpu.vector_load %arg10[%swap3A_52] {strides = array<i32>} : memref<128xi32, #tpu.memory_space<vmem>>, vector<16xi32>,
    %swap3A_54 = vector.shape_cast %swap3A_53 : vector<16xi32> to vector<16xi32>
    %swap3A_55 = vector.shape_cast %add3A_51 : vector<16xi32> to vector<16xi32>
    tpu.vector_store %arg10[%swap3A_52], %swap3A_55 {strides = array<i32>} : memref<128xi32, #tpu.memory_space<vmem>>, vector<16xi32>,
    %iota3A_56 = tpu.iota {dimensions = array<i32: 0>} : vector<16xi32>
    %add3A_57 = arith.constant 10112 : i32
    %add3A_58 = vector.broadcast %add3A_57 : i32 to vector<16xi32>
    %add3A_59 = arith.addi %add3A_58, %iota3A_56 : vector<16xi32>
    %swap3A_60 = arith.constant 112 : index
    %swap3A_61 = tpu.vector_load %arg10[%swap3A_60] {strides = array<i32>} : memref<128xi32, #tpu.memory_space<vmem>>, vector<16xi32>,
    %swap3A_62 = vector.shape_cast %swap3A_61 : vector<16xi32> to vector<16xi32>
    %swap3A_63 = vector.shape_cast %add3A_59 : vector<16xi32> to vector<16xi32>
    tpu.vector_store %arg10[%swap3A_60], %swap3A_63 {strides = array<i32>} : memref<128xi32, #tpu.memory_space<vmem>>, vector<16xi32>,
    %barrier3A = arith.constant 0 : index
    tpu.barrier barrier_id(%barrier3A)
    %dma_start3A = arith.constant 0 : i32
    %dma_start3A_64 = arith.constant 0 : i32
    %dma_start3A_65 = arith.constant 0 : i32
    %dma_start3A_66 = tpu.memref_slice %arg3[%arg0, %dma_start3A, %dma_start3A_64, %dma_start3A_65] : memref<2x2560x2x128xi32, #tpu.memory_space<hbm>> -> memref<1x2560x2x128xi32, #tpu.memory_space<hbm>>
    %dma_start3A_67 = tpu.memref_squeeze %dma_start3A_66 : memref<1x2560x2x128xi32, #tpu.memory_space<hbm>> -> memref<2560x2x128xi32, #tpu.memory_space<hbm>>
    %dma_start3A_68 = arith.constant 0 : i32
    %dma_start3A_69 = arith.constant 0 : i32
    %dma_start3A_70 = tpu.memref_slice %dma_start3A_67[%mul3A_0, %dma_start3A_68, %dma_start3A_69] : memref<2560x2x128xi32, #tpu.memory_space<hbm>> -> memref<4x2x128xi32, #tpu.memory_space<hbm>>
    %dma_start3A_71 = arith.constant 0 : i32
    %dma_start3A_72 = arith.constant 0 : i32
    %dma_start3A_73 = arith.constant 0 : i32
    %dma_start3A_74 = tpu.memref_slice %arg3[%arg0, %dma_start3A_71, %dma_start3A_72, %dma_start3A_73] : memref<2x2560x2x128xi32, #tpu.memory_space<hbm>> -> memref<1x2560x2x128xi32, #tpu.memory_space<hbm>>
    %dma_start3A_75 = tpu.memref_squeeze %dma_start3A_74 : memref<1x2560x2x128xi32, #tpu.memory_space<hbm>> -> memref<2560x2x128xi32, #tpu.memory_space<hbm>>
    %dma_start3A_76 = arith.constant 0 : i32
    %dma_start3A_77 = arith.constant 0 : i32
    %dma_start3A_78 = tpu.memref_slice %dma_start3A_75[%mul3A_0, %dma_start3A_76, %dma_start3A_77] : memref<2560x2x128xi32, #tpu.memory_space<hbm>> -> memref<4x2x128xi32, #tpu.memory_space<hbm>>
    tpu.enqueue_dma source(%dma_start3A_78 : memref<4x2x128xi32, #tpu.memory_space<hbm>>) target(%arg6 : memref<4x2x128xi32, #tpu.memory_space<vmem>>) target_semaphore(%arg12 : memref<!tpu.dma_semaphore, #tpu.memory_space<semaphore_mem>>)
    %dma_wait3A = arith.constant 0 : i32
    %dma_wait3A_79 = arith.constant 0 : i32
    %dma_wait3A_80 = arith.constant 0 : i32
    %dma_wait3A_81 = tpu.memref_slice %arg3[%arg0, %dma_wait3A, %dma_wait3A_79, %dma_wait3A_80] : memref<2x2560x2x128xi32, #tpu.memory_space<hbm>> -> memref<1x2560x2x128xi32, #tpu.memory_space<hbm>>
    %dma_wait3A_82 = tpu.memref_squeeze %dma_wait3A_81 : memref<1x2560x2x128xi32, #tpu.memory_space<hbm>> -> memref<2560x2x128xi32, #tpu.memory_space<hbm>>
    %dma_wait3A_83 = arith.constant 0 : i32
    %dma_wait3A_84 = arith.constant 0 : i32
    %dma_wait3A_85 = tpu.memref_slice %dma_wait3A_82[%mul3A_0, %dma_wait3A_83, %dma_wait3A_84] : memref<2560x2x128xi32, #tpu.memory_space<hbm>> -> memref<4x2x128xi32, #tpu.memory_space<hbm>>
    %dma_wait3A_86 = arith.constant 0 : i32
    %dma_wait3A_87 = arith.constant 0 : i32
    %dma_wait3A_88 = arith.constant 0 : i32
    %dma_wait3A_89 = tpu.memref_slice %arg3[%arg0, %dma_wait3A_86, %dma_wait3A_87, %dma_wait3A_88] : memref<2x2560x2x128xi32, #tpu.memory_space<hbm>> -> memref<1x2560x2x128xi32, #tpu.memory_space<hbm>>
    %dma_wait3A_90 = tpu.memref_squeeze %dma_wait3A_89 : memref<1x2560x2x128xi32, #tpu.memory_space<hbm>> -> memref<2560x2x128xi32, #tpu.memory_space<hbm>>
    %dma_wait3A_91 = arith.constant 0 : i32
    %dma_wait3A_92 = arith.constant 0 : i32
    %dma_wait3A_93 = tpu.memref_slice %dma_wait3A_90[%mul3A_0, %dma_wait3A_91, %dma_wait3A_92] : memref<2560x2x128xi32, #tpu.memory_space<hbm>> -> memref<4x2x128xi32, #tpu.memory_space<hbm>>
    tpu.wait_dma2 semaphore(%arg12 : memref<!tpu.dma_semaphore, #tpu.memory_space<semaphore_mem>>) src(%dma_wait3A_93 : memref<4x2x128xi32, #tpu.memory_space<hbm>>) dst(%arg6 : memref<4x2x128xi32, #tpu.memory_space<vmem>>)
    %add3A_94 = arith.constant 4 : i32
    %add3A_95 = arith.addi %mul3A_0, %add3A_94 : i32
    %dma_start3A_96 = arith.constant 0 : i32
    %dma_start3A_97 = arith.constant 0 : i32
    %dma_start3A_98 = arith.constant 0 : i32
    %dma_start3A_99 = tpu.memref_slice %arg3[%arg0, %dma_start3A_96, %dma_start3A_97, %dma_start3A_98] : memref<2x2560x2x128xi32, #tpu.memory_space<hbm>> -> memref<1x2560x2x128xi32, #tpu.memory_space<hbm>>
    %dma_start3A_100 = tpu.memref_squeeze %dma_start3A_99 : memref<1x2560x2x128xi32, #tpu.memory_space<hbm>> -> memref<2560x2x128xi32, #tpu.memory_space<hbm>>
    %dma_start3A_101 = arith.constant 0 : i32
    %dma_start3A_102 = arith.constant 0 : i32
    %dma_start3A_103 = tpu.memref_slice %dma_start3A_100[%add3A_95, %dma_start3A_101, %dma_start3A_102] : memref<2560x2x128xi32, #tpu.memory_space<hbm>> -> memref<4x2x128xi32, #tpu.memory_space<hbm>>
    %dma_start3A_104 = arith.constant 0 : i32
    %dma_start3A_105 = arith.constant 0 : i32
    %dma_start3A_106 = arith.constant 0 : i32
    %dma_start3A_107 = tpu.memref_slice %arg3[%arg0, %dma_start3A_104, %dma_start3A_105, %dma_start3A_106] : memref<2x2560x2x128xi32, #tpu.memory_space<hbm>> -> memref<1x2560x2x128xi32, #tpu.memory_space<hbm>>
    %dma_start3A_108 = tpu.memref_squeeze %dma_start3A_107 : memref<1x2560x2x128xi32, #tpu.memory_space<hbm>> -> memref<2560x2x128xi32, #tpu.memory_space<hbm>>
    %dma_start3A_109 = arith.constant 0 : i32
    %dma_start3A_110 = arith.constant 0 : i32
    %dma_start3A_111 = tpu.memref_slice %dma_start3A_108[%add3A_95, %dma_start3A_109, %dma_start3A_110] : memref<2560x2x128xi32, #tpu.memory_space<hbm>> -> memref<4x2x128xi32, #tpu.memory_space<hbm>>
    tpu.enqueue_dma source(%dma_start3A_111 : memref<4x2x128xi32, #tpu.memory_space<hbm>>) target(%arg7 : memref<4x2x128xi32, #tpu.memory_space<vmem>>) target_semaphore(%arg13 : memref<!tpu.dma_semaphore, #tpu.memory_space<semaphore_mem>>)
    %dma_start3A_112 = arith.constant 0 : i32
    %dma_start3A_113 = arith.constant 0 : i32
    %dma_start3A_114 = tpu.memref_slice %arg11[%dma_start3A_112, %dma_start3A_113] : memref<10128x144xf32, #tpu.memory_space<vmem_shared>> -> memref<10128x144xf32, #tpu.memory_space<vmem_shared>>
    tpu.enqueue_indirect_dma source(%arg9 : memref<128x144xf32, #tpu.memory_space<vmem>>) target(%dma_start3A_114 : memref<10128x144xf32, #tpu.memory_space<vmem_shared>>) offsets(%arg10 : memref<128xi32, #tpu.memory_space<vmem>>) semaphore(%arg17 : memref<!tpu.dma_semaphore, #tpu.memory_space<semaphore_mem>>) {add = true}
    %dma_start3A_115 = arith.constant 0 : i32
    %dma_start3A_116 = arith.constant 0 : i32
    %dma_start3A_117 = arith.constant 0 : i32
    %dma_start3A_118 = tpu.memref_slice %arg6[%dma_start3A_115, %dma_start3A_116, %dma_start3A_117] : memref<4x2x128xi32, #tpu.memory_space<vmem>> -> memref<1x1x128xi32, #tpu.memory_space<vmem>>
    %dma_start3A_119 = tpu.memref_squeeze %dma_start3A_118 : memref<1x1x128xi32, #tpu.memory_space<vmem>> -> memref<128xi32, #tpu.memory_space<vmem>>
    %dma_start3A_120 = arith.constant 0 : i32
    %dma_start3A_121 = arith.constant 0 : i32
    %dma_start3A_122 = tpu.memref_slice %arg2[%dma_start3A_120, %dma_start3A_121] : memref<20000x144xf32, #tpu.memory_space<hbm>> -> memref<20000x144xf32, #tpu.memory_space<hbm>>
    tpu.enqueue_indirect_dma source(%dma_start3A_122 : memref<20000x144xf32, #tpu.memory_space<hbm>>) target(%arg8 : memref<128x144xf32, #tpu.memory_space<vmem>>) offsets(%dma_start3A_119 : memref<128xi32, #tpu.memory_space<vmem>>) semaphore(%arg14 : memref<!tpu.dma_semaphore, #tpu.memory_space<semaphore_mem>>)
    %scan3A = arith.constant 0 : i32
    %scan3A_123 = arith.constant 0 : i32
    %scan3A_124 = arith.constant 20 : i32
    %scan3A_125 = arith.addi %scan3A_123, %scan3A_124 : i32
    %scan3A_126 = arith.constant 1 : i32
    scf.for %scan3A_139 = %scan3A_123 to %scan3A_125 step %scan3A_126  : i32 {
      %mul3A_140 = arith.constant 2 : i32
      %mul3A_141 = arith.muli %mul3A_140, %scan3A_139 : i32
      %dma_wait3A_142 = arith.constant 0 : i32
      %dma_wait3A_143 = arith.constant 0 : i32
      %dma_wait3A_144 = tpu.memref_slice %arg2[%dma_wait3A_142, %dma_wait3A_143] : memref<20000x144xf32, #tpu.memory_space<hbm>> -> memref<128x144xf32, #tpu.memory_space<hbm>>
      %dma_wait3A_145 = arith.constant 0 : i32
      %dma_wait3A_146 = arith.constant 0 : i32
      %dma_wait3A_147 = tpu.memref_slice %arg2[%dma_wait3A_145, %dma_wait3A_146] : memref<20000x144xf32, #tpu.memory_space<hbm>> -> memref<128x144xf32, #tpu.memory_space<hbm>>
      tpu.wait_dma2 semaphore(%arg14 : memref<!tpu.dma_semaphore, #tpu.memory_space<semaphore_mem>>) src(%dma_wait3A_147 : memref<128x144xf32, #tpu.memory_space<hbm>>) dst(%arg8 : memref<128x144xf32, #tpu.memory_space<vmem>>)
      %dma_start3A_148 = arith.constant 0 : i32
      %dma_start3A_149 = arith.constant 1 : i32
      %dma_start3A_150 = arith.constant 0 : i32
      %dma_start3A_151 = tpu.memref_slice %arg6[%dma_start3A_148, %dma_start3A_149, %dma_start3A_150] : memref<4x2x128xi32, #tpu.memory_space<vmem>> -> memref<1x1x128xi32, #tpu.memory_space<vmem>>
      %dma_start3A_152 = tpu.memref_squeeze %dma_start3A_151 : memref<1x1x128xi32, #tpu.memory_space<vmem>> -> memref<128xi32, #tpu.memory_space<vmem>>
      %dma_start3A_153 = arith.constant 0 : i32
      %dma_start3A_154 = arith.constant 0 : i32
      %dma_start3A_155 = tpu.memref_slice %arg11[%dma_start3A_153, %dma_start3A_154] : memref<10128x144xf32, #tpu.memory_space<vmem_shared>> -> memref<10128x144xf32, #tpu.memory_space<vmem_shared>>
      tpu.enqueue_indirect_dma source(%arg8 : memref<128x144xf32, #tpu.memory_space<vmem>>) target(%dma_start3A_155 : memref<10128x144xf32, #tpu.memory_space<vmem_shared>>) offsets(%dma_start3A_152 : memref<128xi32, #tpu.memory_space<vmem>>) semaphore(%arg16 : memref<!tpu.dma_semaphore, #tpu.memory_space<semaphore_mem>>) {add = true}
      %dma_wait3A_156 = arith.constant 0 : i32
      %dma_wait3A_157 = arith.constant 0 : i32
      %dma_wait3A_158 = tpu.memref_slice %arg2[%dma_wait3A_156, %dma_wait3A_157] : memref<20000x144xf32, #tpu.memory_space<hbm>> -> memref<128x144xf32, #tpu.memory_space<hbm>>
      %dma_wait3A_159 = arith.constant 0 : i32
      %dma_wait3A_160 = arith.constant 0 : i32
      %dma_wait3A_161 = tpu.memref_slice %arg2[%dma_wait3A_159, %dma_wait3A_160] : memref<20000x144xf32, #tpu.memory_space<hbm>> -> memref<128x144xf32, #tpu.memory_space<hbm>>
      tpu.wait_dma2 semaphore(%arg17 : memref<!tpu.dma_semaphore, #tpu.memory_space<semaphore_mem>>) src(%dma_wait3A_161 : memref<128x144xf32, #tpu.memory_space<hbm>>) dst(%arg9 : memref<128x144xf32, #tpu.memory_space<vmem>>)
      %dma_start3A_162 = arith.constant 1 : i32
      %dma_start3A_163 = arith.constant 0 : i32
      %dma_start3A_164 = arith.constant 0 : i32
      %dma_start3A_165 = tpu.memref_slice %arg6[%dma_start3A_162, %dma_start3A_163, %dma_start3A_164] : memref<4x2x128xi32, #tpu.memory_space<vmem>> -> memref<1x1x128xi32, #tpu.memory_space<vmem>>
      %dma_start3A_166 = tpu.memref_squeeze %dma_start3A_165 : memref<1x1x128xi32, #tpu.memory_space<vmem>> -> memref<128xi32, #tpu.memory_space<vmem>>
      %dma_start3A_167 = arith.constant 0 : i32
      %dma_start3A_168 = arith.constant 0 : i32
      %dma_start3A_169 = tpu.memref_slice %arg2[%dma_start3A_167, %dma_start3A_168] : memref<20000x144xf32, #tpu.memory_space<hbm>> -> memref<20000x144xf32, #tpu.memory_space<hbm>>
      tpu.enqueue_indirect_dma source(%dma_start3A_169 : memref<20000x144xf32, #tpu.memory_space<hbm>>) target(%arg9 : memref<128x144xf32, #tpu.memory_space<vmem>>) offsets(%dma_start3A_166 : memref<128xi32, #tpu.memory_space<vmem>>) semaphore(%arg15 : memref<!tpu.dma_semaphore, #tpu.memory_space<semaphore_mem>>)
      %dma_wait3A_170 = arith.constant 0 : i32
      %dma_wait3A_171 = arith.constant 0 : i32
      %dma_wait3A_172 = tpu.memref_slice %arg2[%dma_wait3A_170, %dma_wait3A_171] : memref<20000x144xf32, #tpu.memory_space<hbm>> -> memref<128x144xf32, #tpu.memory_space<hbm>>
      %dma_wait3A_173 = arith.constant 0 : i32
      %dma_wait3A_174 = arith.constant 0 : i32
      %dma_wait3A_175 = tpu.memref_slice %arg2[%dma_wait3A_173, %dma_wait3A_174] : memref<20000x144xf32, #tpu.memory_space<hbm>> -> memref<128x144xf32, #tpu.memory_space<hbm>>
      tpu.wait_dma2 semaphore(%arg15 : memref<!tpu.dma_semaphore, #tpu.memory_space<semaphore_mem>>) src(%dma_wait3A_175 : memref<128x144xf32, #tpu.memory_space<hbm>>) dst(%arg9 : memref<128x144xf32, #tpu.memory_space<vmem>>)
      %dma_start3A_176 = arith.constant 1 : i32
      %dma_start3A_177 = arith.constant 1 : i32
      %dma_start3A_178 = arith.constant 0 : i32
      %dma_start3A_179 = tpu.memref_slice %arg6[%dma_start3A_176, %dma_start3A_177, %dma_start3A_178] : memref<4x2x128xi32, #tpu.memory_space<vmem>> -> memref<1x1x128xi32, #tpu.memory_space<vmem>>
      %dma_start3A_180 = tpu.memref_squeeze %dma_start3A_179 : memref<1x1x128xi32, #tpu.memory_space<vmem>> -> memref<128xi32, #tpu.memory_space<vmem>>
      %dma_start3A_181 = arith.constant 0 : i32
      %dma_start3A_182 = arith.constant 0 : i32
      %dma_start3A_183 = tpu.memref_slice %arg11[%dma_start3A_181, %dma_start3A_182] : memref<10128x144xf32, #tpu.memory_space<vmem_shared>> -> memref<10128x144xf32, #tpu.memory_space<vmem_shared>>
      tpu.enqueue_indirect_dma source(%arg9 : memref<128x144xf32, #tpu.memory_space<vmem>>) target(%dma_start3A_183 : memref<10128x144xf32, #tpu.memory_space<vmem_shared>>) offsets(%dma_start3A_180 : memref<128xi32, #tpu.memory_space<vmem>>) semaphore(%arg17 : memref<!tpu.dma_semaphore, #tpu.memory_space<semaphore_mem>>) {add = true}
      %dma_wait3A_184 = arith.constant 0 : i32
      %dma_wait3A_185 = arith.constant 0 : i32
      %dma_wait3A_186 = tpu.memref_slice %arg2[%dma_wait3A_184, %dma_wait3A_185] : memref<20000x144xf32, #tpu.memory_space<hbm>> -> memref<128x144xf32, #tpu.memory_space<hbm>>
      %dma_wait3A_187 = arith.constant 0 : i32
      %dma_wait3A_188 = arith.constant 0 : i32
      %dma_wait3A_189 = tpu.memref_slice %arg2[%dma_wait3A_187, %dma_wait3A_188] : memref<20000x144xf32, #tpu.memory_space<hbm>> -> memref<128x144xf32, #tpu.memory_space<hbm>>
      tpu.wait_dma2 semaphore(%arg16 : memref<!tpu.dma_semaphore, #tpu.memory_space<semaphore_mem>>) src(%dma_wait3A_189 : memref<128x144xf32, #tpu.memory_space<hbm>>) dst(%arg8 : memref<128x144xf32, #tpu.memory_space<vmem>>)
      %dma_start3A_190 = arith.constant 2 : i32
      %dma_start3A_191 = arith.constant 0 : i32
      %dma_start3A_192 = arith.constant 0 : i32
      %dma_start3A_193 = tpu.memref_slice %arg6[%dma_start3A_190, %dma_start3A_191, %dma_start3A_192] : memref<4x2x128xi32, #tpu.memory_space<vmem>> -> memref<1x1x128xi32, #tpu.memory_space<vmem>>
      %dma_start3A_194 = tpu.memref_squeeze %dma_start3A_193 : memref<1x1x128xi32, #tpu.memory_space<vmem>> -> memref<128xi32, #tpu.memory_space<vmem>>
      %dma_start3A_195 = arith.constant 0 : i32
      %dma_start3A_196 = arith.constant 0 : i32
      %dma_start3A_197 = tpu.memref_slice %arg2[%dma_start3A_195, %dma_start3A_196] : memref<20000x144xf32, #tpu.memory_space<hbm>> -> memref<20000x144xf32, #tpu.memory_space<hbm>>
      tpu.enqueue_indirect_dma source(%dma_start3A_197 : memref<20000x144xf32, #tpu.memory_space<hbm>>) target(%arg8 : memref<128x144xf32, #tpu.memory_space<vmem>>) offsets(%dma_start3A_194 : memref<128xi32, #tpu.memory_space<vmem>>) semaphore(%arg14 : memref<!tpu.dma_semaphore, #tpu.memory_space<semaphore_mem>>)
      %dma_wait3A_198 = arith.constant 0 : i32
      %dma_wait3A_199 = arith.constant 0 : i32
      %dma_wait3A_200 = tpu.memref_slice %arg2[%dma_wait3A_198, %dma_wait3A_199] : memref<20000x144xf32, #tpu.memory_space<hbm>> -> memref<128x144xf32, #tpu.memory_space<hbm>>
      %dma_wait3A_201 = arith.constant 0 : i32
      %dma_wait3A_202 = arith.constant 0 : i32
      %dma_wait3A_203 = tpu.memref_slice %arg2[%dma_wait3A_201, %dma_wait3A_202] : memref<20000x144xf32, #tpu.memory_space<hbm>> -> memref<128x144xf32, #tpu.memory_space<hbm>>
      tpu.wait_dma2 semaphore(%arg14 : memref<!tpu.dma_semaphore, #tpu.memory_space<semaphore_mem>>) src(%dma_wait3A_203 : memref<128x144xf32, #tpu.memory_space<hbm>>) dst(%arg8 : memref<128x144xf32, #tpu.memory_space<vmem>>)
      %dma_start3A_204 = arith.constant 2 : i32
      %dma_start3A_205 = arith.constant 1 : i32
      %dma_start3A_206 = arith.constant 0 : i32
      %dma_start3A_207 = tpu.memref_slice %arg6[%dma_start3A_204, %dma_start3A_205, %dma_start3A_206] : memref<4x2x128xi32, #tpu.memory_space<vmem>> -> memref<1x1x128xi32, #tpu.memory_space<vmem>>
      %dma_start3A_208 = tpu.memref_squeeze %dma_start3A_207 : memref<1x1x128xi32, #tpu.memory_space<vmem>> -> memref<128xi32, #tpu.memory_space<vmem>>
      %dma_start3A_209 = arith.constant 0 : i32
      %dma_start3A_210 = arith.constant 0 : i32
      %dma_start3A_211 = tpu.memref_slice %arg11[%dma_start3A_209, %dma_start3A_210] : memref<10128x144xf32, #tpu.memory_space<vmem_shared>> -> memref<10128x144xf32, #tpu.memory_space<vmem_shared>>
      tpu.enqueue_indirect_dma source(%arg8 : memref<128x144xf32, #tpu.memory_space<vmem>>) target(%dma_start3A_211 : memref<10128x144xf32, #tpu.memory_space<vmem_shared>>) offsets(%dma_start3A_208 : memref<128xi32, #tpu.memory_space<vmem>>) semaphore(%arg16 : memref<!tpu.dma_semaphore, #tpu.memory_space<semaphore_mem>>) {add = true}
      %dma_wait3A_212 = arith.constant 0 : i32
      %dma_wait3A_213 = arith.constant 0 : i32
      %dma_wait3A_214 = tpu.memref_slice %arg2[%dma_wait3A_212, %dma_wait3A_213] : memref<20000x144xf32, #tpu.memory_space<hbm>> -> memref<128x144xf32, #tpu.memory_space<hbm>>
      %dma_wait3A_215 = arith.constant 0 : i32
      %dma_wait3A_216 = arith.constant 0 : i32
      %dma_wait3A_217 = tpu.memref_slice %arg2[%dma_wait3A_215, %dma_wait3A_216] : memref<20000x144xf32, #tpu.memory_space<hbm>> -> memref<128x144xf32, #tpu.memory_space<hbm>>
      tpu.wait_dma2 semaphore(%arg17 : memref<!tpu.dma_semaphore, #tpu.memory_space<semaphore_mem>>) src(%dma_wait3A_217 : memref<128x144xf32, #tpu.memory_space<hbm>>) dst(%arg9 : memref<128x144xf32, #tpu.memory_space<vmem>>)
      %dma_start3A_218 = arith.constant 3 : i32
      %dma_start3A_219 = arith.constant 0 : i32
      %dma_start3A_220 = arith.constant 0 : i32
      %dma_start3A_221 = tpu.memref_slice %arg6[%dma_start3A_218, %dma_start3A_219, %dma_start3A_220] : memref<4x2x128xi32, #tpu.memory_space<vmem>> -> memref<1x1x128xi32, #tpu.memory_space<vmem>>
      %dma_start3A_222 = tpu.memref_squeeze %dma_start3A_221 : memref<1x1x128xi32, #tpu.memory_space<vmem>> -> memref<128xi32, #tpu.memory_space<vmem>>
      %dma_start3A_223 = arith.constant 0 : i32
      %dma_start3A_224 = arith.constant 0 : i32
      %dma_start3A_225 = tpu.memref_slice %arg2[%dma_start3A_223, %dma_start3A_224] : memref<20000x144xf32, #tpu.memory_space<hbm>> -> memref<20000x144xf32, #tpu.memory_space<hbm>>
      tpu.enqueue_indirect_dma source(%dma_start3A_225 : memref<20000x144xf32, #tpu.memory_space<hbm>>) target(%arg9 : memref<128x144xf32, #tpu.memory_space<vmem>>) offsets(%dma_start3A_222 : memref<128xi32, #tpu.memory_space<vmem>>) semaphore(%arg15 : memref<!tpu.dma_semaphore, #tpu.memory_space<semaphore_mem>>)
      %dma_wait3A_226 = arith.constant 0 : i32
      %dma_wait3A_227 = arith.constant 0 : i32
      %dma_wait3A_228 = tpu.memref_slice %arg2[%dma_wait3A_226, %dma_wait3A_227] : memref<20000x144xf32, #tpu.memory_space<hbm>> -> memref<128x144xf32, #tpu.memory_space<hbm>>
      %dma_wait3A_229 = arith.constant 0 : i32
      %dma_wait3A_230 = arith.constant 0 : i32
      %dma_wait3A_231 = tpu.memref_slice %arg2[%dma_wait3A_229, %dma_wait3A_230] : memref<20000x144xf32, #tpu.memory_space<hbm>> -> memref<128x144xf32, #tpu.memory_space<hbm>>
      tpu.wait_dma2 semaphore(%arg15 : memref<!tpu.dma_semaphore, #tpu.memory_space<semaphore_mem>>) src(%dma_wait3A_231 : memref<128x144xf32, #tpu.memory_space<hbm>>) dst(%arg9 : memref<128x144xf32, #tpu.memory_space<vmem>>)
      %dma_start3A_232 = arith.constant 3 : i32
      %dma_start3A_233 = arith.constant 1 : i32
      %dma_start3A_234 = arith.constant 0 : i32
      %dma_start3A_235 = tpu.memref_slice %arg6[%dma_start3A_232, %dma_start3A_233, %dma_start3A_234] : memref<4x2x128xi32, #tpu.memory_space<vmem>> -> memref<1x1x128xi32, #tpu.memory_space<vmem>>
      %dma_start3A_236 = tpu.memref_squeeze %dma_start3A_235 : memref<1x1x128xi32, #tpu.memory_space<vmem>> -> memref<128xi32, #tpu.memory_space<vmem>>
      %dma_start3A_237 = arith.constant 0 : i32
      %dma_start3A_238 = arith.constant 0 : i32
      %dma_start3A_239 = tpu.memref_slice %arg11[%dma_start3A_237, %dma_start3A_238] : memref<10128x144xf32, #tpu.memory_space<vmem_shared>> -> memref<10128x144xf32, #tpu.memory_space<vmem_shared>>
      tpu.enqueue_indirect_dma source(%arg9 : memref<128x144xf32, #tpu.memory_space<vmem>>) target(%dma_start3A_239 : memref<10128x144xf32, #tpu.memory_space<vmem_shared>>) offsets(%dma_start3A_236 : memref<128xi32, #tpu.memory_space<vmem>>) semaphore(%arg17 : memref<!tpu.dma_semaphore, #tpu.memory_space<semaphore_mem>>) {add = true}
      %dma_wait3A_240 = arith.constant 0 : i32
      %dma_wait3A_241 = arith.constant 0 : i32
      %dma_wait3A_242 = tpu.memref_slice %arg2[%dma_wait3A_240, %dma_wait3A_241] : memref<20000x144xf32, #tpu.memory_space<hbm>> -> memref<128x144xf32, #tpu.memory_space<hbm>>
      %dma_wait3A_243 = arith.constant 0 : i32
      %dma_wait3A_244 = arith.constant 0 : i32
      %dma_wait3A_245 = tpu.memref_slice %arg2[%dma_wait3A_243, %dma_wait3A_244] : memref<20000x144xf32, #tpu.memory_space<hbm>> -> memref<128x144xf32, #tpu.memory_space<hbm>>
      tpu.wait_dma2 semaphore(%arg16 : memref<!tpu.dma_semaphore, #tpu.memory_space<semaphore_mem>>) src(%dma_wait3A_245 : memref<128x144xf32, #tpu.memory_space<hbm>>) dst(%arg8 : memref<128x144xf32, #tpu.memory_space<vmem>>)
      %dma_wait3A_246 = arith.constant 0 : i32
      %dma_wait3A_247 = arith.constant 0 : i32
      %dma_wait3A_248 = arith.constant 0 : i32
      %dma_wait3A_249 = tpu.memref_slice %arg3[%arg0, %dma_wait3A_246, %dma_wait3A_247, %dma_wait3A_248] : memref<2x2560x2x128xi32, #tpu.memory_space<hbm>> -> memref<1x2560x2x128xi32, #tpu.memory_space<hbm>>
      %dma_wait3A_250 = tpu.memref_squeeze %dma_wait3A_249 : memref<1x2560x2x128xi32, #tpu.memory_space<hbm>> -> memref<2560x2x128xi32, #tpu.memory_space<hbm>>
      %dma_wait3A_251 = arith.constant 0 : i32
      %dma_wait3A_252 = arith.constant 0 : i32
      %dma_wait3A_253 = arith.constant 0 : i32
      %dma_wait3A_254 = tpu.memref_slice %dma_wait3A_250[%dma_wait3A_251, %dma_wait3A_252, %dma_wait3A_253] : memref<2560x2x128xi32, #tpu.memory_space<hbm>> -> memref<4x2x128xi32, #tpu.memory_space<hbm>>
      %dma_wait3A_255 = arith.constant 0 : i32
      %dma_wait3A_256 = arith.constant 0 : i32
      %dma_wait3A_257 = arith.constant 0 : i32
      %dma_wait3A_258 = tpu.memref_slice %arg3[%arg0, %dma_wait3A_255, %dma_wait3A_256, %dma_wait3A_257] : memref<2x2560x2x128xi32, #tpu.memory_space<hbm>> -> memref<1x2560x2x128xi32, #tpu.memory_space<hbm>>
      %dma_wait3A_259 = tpu.memref_squeeze %dma_wait3A_258 : memref<1x2560x2x128xi32, #tpu.memory_space<hbm>> -> memref<2560x2x128xi32, #tpu.memory_space<hbm>>
      %dma_wait3A_260 = arith.constant 0 : i32
      %dma_wait3A_261 = arith.constant 0 : i32
      %dma_wait3A_262 = arith.constant 0 : i32
      %dma_wait3A_263 = tpu.memref_slice %dma_wait3A_259[%dma_wait3A_260, %dma_wait3A_261, %dma_wait3A_262] : memref<2560x2x128xi32, #tpu.memory_space<hbm>> -> memref<4x2x128xi32, #tpu.memory_space<hbm>>
      tpu.wait_dma2 semaphore(%arg13 : memref<!tpu.dma_semaphore, #tpu.memory_space<semaphore_mem>>) src(%dma_wait3A_263 : memref<4x2x128xi32, #tpu.memory_space<hbm>>) dst(%arg7 : memref<4x2x128xi32, #tpu.memory_space<vmem>>)
      %dma_start3A_264 = arith.constant 0 : i32
      %dma_start3A_265 = arith.constant 0 : i32
      %dma_start3A_266 = arith.constant 0 : i32
      %dma_start3A_267 = tpu.memref_slice %arg7[%dma_start3A_264, %dma_start3A_265, %dma_start3A_266] : memref<4x2x128xi32, #tpu.memory_space<vmem>> -> memref<1x1x128xi32, #tpu.memory_space<vmem>>
      %dma_start3A_268 = tpu.memref_squeeze %dma_start3A_267 : memref<1x1x128xi32, #tpu.memory_space<vmem>> -> memref<128xi32, #tpu.memory_space<vmem>>
      %dma_start3A_269 = arith.constant 0 : i32
      %dma_start3A_270 = arith.constant 0 : i32
      %dma_start3A_271 = tpu.memref_slice %arg2[%dma_start3A_269, %dma_start3A_270] : memref<20000x144xf32, #tpu.memory_space<hbm>> -> memref<20000x144xf32, #tpu.memory_space<hbm>>
      tpu.enqueue_indirect_dma source(%dma_start3A_271 : memref<20000x144xf32, #tpu.memory_space<hbm>>) target(%arg8 : memref<128x144xf32, #tpu.memory_space<vmem>>) offsets(%dma_start3A_268 : memref<128xi32, #tpu.memory_space<vmem>>) semaphore(%arg14 : memref<!tpu.dma_semaphore, #tpu.memory_space<semaphore_mem>>)
      %add3A_272 = arith.constant 2 : i32
      %add3A_273 = arith.addi %mul3A_141, %add3A_272 : i32
      %lt3A = arith.constant 40 : i32
      %lt3A_274 = arith.cmpi slt, %add3A_273, %lt3A : i32
      %convert_element_type3A = arith.extui %lt3A_274 : i1 to i32
      %cond3A = arith.constant 0 : i32
      %cond3A_275 = arith.cmpi ne, %convert_element_type3A, %cond3A : i32
      scf.if %cond3A_275 {
        %add3A_396 = arith.constant 2 : i32
        %add3A_397 = arith.addi %mul3A_141, %add3A_396 : i32
        %mul3A_398 = arith.constant 4 : i32
        %mul3A_399 = arith.muli %add3A_397, %mul3A_398 : i32
        %add3A_400 = arith.addi %mul3A_0, %mul3A_399 : i32
        %dma_start3A_401 = arith.constant 0 : i32
        %dma_start3A_402 = arith.constant 0 : i32
        %dma_start3A_403 = arith.constant 0 : i32
        %dma_start3A_404 = tpu.memref_slice %arg3[%arg0, %dma_start3A_401, %dma_start3A_402, %dma_start3A_403] : memref<2x2560x2x128xi32, #tpu.memory_space<hbm>> -> memref<1x2560x2x128xi32, #tpu.memory_space<hbm>>
        %dma_start3A_405 = tpu.memref_squeeze %dma_start3A_404 : memref<1x2560x2x128xi32, #tpu.memory_space<hbm>> -> memref<2560x2x128xi32, #tpu.memory_space<hbm>>
        %dma_start3A_406 = arith.constant 0 : i32
        %dma_start3A_407 = arith.constant 0 : i32
        %dma_start3A_408 = tpu.memref_slice %dma_start3A_405[%add3A_400, %dma_start3A_406, %dma_start3A_407] : memref<2560x2x128xi32, #tpu.memory_space<hbm>> -> memref<4x2x128xi32, #tpu.memory_space<hbm>>
        %dma_start3A_409 = arith.constant 0 : i32
        %dma_start3A_410 = arith.constant 0 : i32
        %dma_start3A_411 = arith.constant 0 : i32
        %dma_start3A_412 = tpu.memref_slice %arg3[%arg0, %dma_start3A_409, %dma_start3A_410, %dma_start3A_411] : memref<2x2560x2x128xi32, #tpu.memory_space<hbm>> -> memref<1x2560x2x128xi32, #tpu.memory_space<hbm>>
        %dma_start3A_413 = tpu.memref_squeeze %dma_start3A_412 : memref<1x2560x2x128xi32, #tpu.memory_space<hbm>> -> memref<2560x2x128xi32, #tpu.memory_space<hbm>>
        %dma_start3A_414 = arith.constant 0 : i32
        %dma_start3A_415 = arith.constant 0 : i32
        %dma_start3A_416 = tpu.memref_slice %dma_start3A_413[%add3A_400, %dma_start3A_414, %dma_start3A_415] : memref<2560x2x128xi32, #tpu.memory_space<hbm>> -> memref<4x2x128xi32, #tpu.memory_space<hbm>>
        tpu.enqueue_dma source(%dma_start3A_416 : memref<4x2x128xi32, #tpu.memory_space<hbm>>) target(%arg6 : memref<4x2x128xi32, #tpu.memory_space<vmem>>) target_semaphore(%arg12 : memref<!tpu.dma_semaphore, #tpu.memory_space<semaphore_mem>>)
      } else {
      }
      %add3A_276 = arith.constant 1 : i32
      %add3A_277 = arith.addi %mul3A_141, %add3A_276 : i32
      %add3A_278 = arith.constant 1 : i32
      %add3A_279 = arith.addi %mul3A_141, %add3A_278 : i32
      %eq3A = arith.constant 39 : i32
      %eq3A_280 = arith.cmpi eq, %add3A_279, %eq3A : i32
      %dma_wait3A_281 = arith.constant 0 : i32
      %dma_wait3A_282 = arith.constant 0 : i32
      %dma_wait3A_283 = tpu.memref_slice %arg2[%dma_wait3A_281, %dma_wait3A_282] : memref<20000x144xf32, #tpu.memory_space<hbm>> -> memref<128x144xf32, #tpu.memory_space<hbm>>
      %dma_wait3A_284 = arith.constant 0 : i32
      %dma_wait3A_285 = arith.constant 0 : i32
      %dma_wait3A_286 = tpu.memref_slice %arg2[%dma_wait3A_284, %dma_wait3A_285] : memref<20000x144xf32, #tpu.memory_space<hbm>> -> memref<128x144xf32, #tpu.memory_space<hbm>>
      tpu.wait_dma2 semaphore(%arg14 : memref<!tpu.dma_semaphore, #tpu.memory_space<semaphore_mem>>) src(%dma_wait3A_286 : memref<128x144xf32, #tpu.memory_space<hbm>>) dst(%arg8 : memref<128x144xf32, #tpu.memory_space<vmem>>)
      %dma_start3A_287 = arith.constant 0 : i32
      %dma_start3A_288 = arith.constant 1 : i32
      %dma_start3A_289 = arith.constant 0 : i32
      %dma_start3A_290 = tpu.memref_slice %arg7[%dma_start3A_287, %dma_start3A_288, %dma_start3A_289] : memref<4x2x128xi32, #tpu.memory_space<vmem>> -> memref<1x1x128xi32, #tpu.memory_space<vmem>>
      %dma_start3A_291 = tpu.memref_squeeze %dma_start3A_290 : memref<1x1x128xi32, #tpu.memory_space<vmem>> -> memref<128xi32, #tpu.memory_space<vmem>>
      %dma_start3A_292 = arith.constant 0 : i32
      %dma_start3A_293 = arith.constant 0 : i32
      %dma_start3A_294 = tpu.memref_slice %arg11[%dma_start3A_292, %dma_start3A_293] : memref<10128x144xf32, #tpu.memory_space<vmem_shared>> -> memref<10128x144xf32, #tpu.memory_space<vmem_shared>>
      tpu.enqueue_indirect_dma source(%arg8 : memref<128x144xf32, #tpu.memory_space<vmem>>) target(%dma_start3A_294 : memref<10128x144xf32, #tpu.memory_space<vmem_shared>>) offsets(%dma_start3A_291 : memref<128xi32, #tpu.memory_space<vmem>>) semaphore(%arg16 : memref<!tpu.dma_semaphore, #tpu.memory_space<semaphore_mem>>) {add = true}
      %dma_wait3A_295 = arith.constant 0 : i32
      %dma_wait3A_296 = arith.constant 0 : i32
      %dma_wait3A_297 = tpu.memref_slice %arg2[%dma_wait3A_295, %dma_wait3A_296] : memref<20000x144xf32, #tpu.memory_space<hbm>> -> memref<128x144xf32, #tpu.memory_space<hbm>>
      %dma_wait3A_298 = arith.constant 0 : i32
      %dma_wait3A_299 = arith.constant 0 : i32
      %dma_wait3A_300 = tpu.memref_slice %arg2[%dma_wait3A_298, %dma_wait3A_299] : memref<20000x144xf32, #tpu.memory_space<hbm>> -> memref<128x144xf32, #tpu.memory_space<hbm>>
      tpu.wait_dma2 semaphore(%arg17 : memref<!tpu.dma_semaphore, #tpu.memory_space<semaphore_mem>>) src(%dma_wait3A_300 : memref<128x144xf32, #tpu.memory_space<hbm>>) dst(%arg9 : memref<128x144xf32, #tpu.memory_space<vmem>>)
      %dma_start3A_301 = arith.constant 1 : i32
      %dma_start3A_302 = arith.constant 0 : i32
      %dma_start3A_303 = arith.constant 0 : i32
      %dma_start3A_304 = tpu.memref_slice %arg7[%dma_start3A_301, %dma_start3A_302, %dma_start3A_303] : memref<4x2x128xi32, #tpu.memory_space<vmem>> -> memref<1x1x128xi32, #tpu.memory_space<vmem>>
      %dma_start3A_305 = tpu.memref_squeeze %dma_start3A_304 : memref<1x1x128xi32, #tpu.memory_space<vmem>> -> memref<128xi32, #tpu.memory_space<vmem>>
      %dma_start3A_306 = arith.constant 0 : i32
      %dma_start3A_307 = arith.constant 0 : i32
      %dma_start3A_308 = tpu.memref_slice %arg2[%dma_start3A_306, %dma_start3A_307] : memref<20000x144xf32, #tpu.memory_space<hbm>> -> memref<20000x144xf32, #tpu.memory_space<hbm>>
      tpu.enqueue_indirect_dma source(%dma_start3A_308 : memref<20000x144xf32, #tpu.memory_space<hbm>>) target(%arg9 : memref<128x144xf32, #tpu.memory_space<vmem>>) offsets(%dma_start3A_305 : memref<128xi32, #tpu.memory_space<vmem>>) semaphore(%arg15 : memref<!tpu.dma_semaphore, #tpu.memory_space<semaphore_mem>>)
      %dma_wait3A_309 = arith.constant 0 : i32
      %dma_wait3A_310 = arith.constant 0 : i32
      %dma_wait3A_311 = tpu.memref_slice %arg2[%dma_wait3A_309, %dma_wait3A_310] : memref<20000x144xf32, #tpu.memory_space<hbm>> -> memref<128x144xf32, #tpu.memory_space<hbm>>
      %dma_wait3A_312 = arith.constant 0 : i32
      %dma_wait3A_313 = arith.constant 0 : i32
      %dma_wait3A_314 = tpu.memref_slice %arg2[%dma_wait3A_312, %dma_wait3A_313] : memref<20000x144xf32, #tpu.memory_space<hbm>> -> memref<128x144xf32, #tpu.memory_space<hbm>>
      tpu.wait_dma2 semaphore(%arg15 : memref<!tpu.dma_semaphore, #tpu.memory_space<semaphore_mem>>) src(%dma_wait3A_314 : memref<128x144xf32, #tpu.memory_space<hbm>>) dst(%arg9 : memref<128x144xf32, #tpu.memory_space<vmem>>)
      %dma_start3A_315 = arith.constant 1 : i32
      %dma_start3A_316 = arith.constant 1 : i32
      %dma_start3A_317 = arith.constant 0 : i32
      %dma_start3A_318 = tpu.memref_slice %arg7[%dma_start3A_315, %dma_start3A_316, %dma_start3A_317] : memref<4x2x128xi32, #tpu.memory_space<vmem>> -> memref<1x1x128xi32, #tpu.memory_space<vmem>>
      %dma_start3A_319 = tpu.memref_squeeze %dma_start3A_318 : memref<1x1x128xi32, #tpu.memory_space<vmem>> -> memref<128xi32, #tpu.memory_space<vmem>>
      %dma_start3A_320 = arith.constant 0 : i32
      %dma_start3A_321 = arith.constant 0 : i32
      %dma_start3A_322 = tpu.memref_slice %arg11[%dma_start3A_320, %dma_start3A_321] : memref<10128x144xf32, #tpu.memory_space<vmem_shared>> -> memref<10128x144xf32, #tpu.memory_space<vmem_shared>>
      tpu.enqueue_indirect_dma source(%arg9 : memref<128x144xf32, #tpu.memory_space<vmem>>) target(%dma_start3A_322 : memref<10128x144xf32, #tpu.memory_space<vmem_shared>>) offsets(%dma_start3A_319 : memref<128xi32, #tpu.memory_space<vmem>>) semaphore(%arg17 : memref<!tpu.dma_semaphore, #tpu.memory_space<semaphore_mem>>) {add = true}
      %dma_wait3A_323 = arith.constant 0 : i32
      %dma_wait3A_324 = arith.constant 0 : i32
      %dma_wait3A_325 = tpu.memref_slice %arg2[%dma_wait3A_323, %dma_wait3A_324] : memref<20000x144xf32, #tpu.memory_space<hbm>> -> memref<128x144xf32, #tpu.memory_space<hbm>>
      %dma_wait3A_326 = arith.constant 0 : i32
      %dma_wait3A_327 = arith.constant 0 : i32
      %dma_wait3A_328 = tpu.memref_slice %arg2[%dma_wait3A_326, %dma_wait3A_327] : memref<20000x144xf32, #tpu.memory_space<hbm>> -> memref<128x144xf32, #tpu.memory_space<hbm>>
      tpu.wait_dma2 semaphore(%arg16 : memref<!tpu.dma_semaphore, #tpu.memory_space<semaphore_mem>>) src(%dma_wait3A_328 : memref<128x144xf32, #tpu.memory_space<hbm>>) dst(%arg8 : memref<128x144xf32, #tpu.memory_space<vmem>>)
      %dma_start3A_329 = arith.constant 2 : i32
      %dma_start3A_330 = arith.constant 0 : i32
      %dma_start3A_331 = arith.constant 0 : i32
      %dma_start3A_332 = tpu.memref_slice %arg7[%dma_start3A_329, %dma_start3A_330, %dma_start3A_331] : memref<4x2x128xi32, #tpu.memory_space<vmem>> -> memref<1x1x128xi32, #tpu.memory_space<vmem>>
      %dma_start3A_333 = tpu.memref_squeeze %dma_start3A_332 : memref<1x1x128xi32, #tpu.memory_space<vmem>> -> memref<128xi32, #tpu.memory_space<vmem>>
      %dma_start3A_334 = arith.constant 0 : i32
      %dma_start3A_335 = arith.constant 0 : i32
      %dma_start3A_336 = tpu.memref_slice %arg2[%dma_start3A_334, %dma_start3A_335] : memref<20000x144xf32, #tpu.memory_space<hbm>> -> memref<20000x144xf32, #tpu.memory_space<hbm>>
      tpu.enqueue_indirect_dma source(%dma_start3A_336 : memref<20000x144xf32, #tpu.memory_space<hbm>>) target(%arg8 : memref<128x144xf32, #tpu.memory_space<vmem>>) offsets(%dma_start3A_333 : memref<128xi32, #tpu.memory_space<vmem>>) semaphore(%arg14 : memref<!tpu.dma_semaphore, #tpu.memory_space<semaphore_mem>>)
      %dma_wait3A_337 = arith.constant 0 : i32
      %dma_wait3A_338 = arith.constant 0 : i32
      %dma_wait3A_339 = tpu.memref_slice %arg2[%dma_wait3A_337, %dma_wait3A_338] : memref<20000x144xf32, #tpu.memory_space<hbm>> -> memref<128x144xf32, #tpu.memory_space<hbm>>
      %dma_wait3A_340 = arith.constant 0 : i32
      %dma_wait3A_341 = arith.constant 0 : i32
      %dma_wait3A_342 = tpu.memref_slice %arg2[%dma_wait3A_340, %dma_wait3A_341] : memref<20000x144xf32, #tpu.memory_space<hbm>> -> memref<128x144xf32, #tpu.memory_space<hbm>>
      tpu.wait_dma2 semaphore(%arg14 : memref<!tpu.dma_semaphore, #tpu.memory_space<semaphore_mem>>) src(%dma_wait3A_342 : memref<128x144xf32, #tpu.memory_space<hbm>>) dst(%arg8 : memref<128x144xf32, #tpu.memory_space<vmem>>)
      %dma_start3A_343 = arith.constant 2 : i32
      %dma_start3A_344 = arith.constant 1 : i32
      %dma_start3A_345 = arith.constant 0 : i32
      %dma_start3A_346 = tpu.memref_slice %arg7[%dma_start3A_343, %dma_start3A_344, %dma_start3A_345] : memref<4x2x128xi32, #tpu.memory_space<vmem>> -> memref<1x1x128xi32, #tpu.memory_space<vmem>>
      %dma_start3A_347 = tpu.memref_squeeze %dma_start3A_346 : memref<1x1x128xi32, #tpu.memory_space<vmem>> -> memref<128xi32, #tpu.memory_space<vmem>>
      %dma_start3A_348 = arith.constant 0 : i32
      %dma_start3A_349 = arith.constant 0 : i32
      %dma_start3A_350 = tpu.memref_slice %arg11[%dma_start3A_348, %dma_start3A_349] : memref<10128x144xf32, #tpu.memory_space<vmem_shared>> -> memref<10128x144xf32, #tpu.memory_space<vmem_shared>>
      tpu.enqueue_indirect_dma source(%arg8 : memref<128x144xf32, #tpu.memory_space<vmem>>) target(%dma_start3A_350 : memref<10128x144xf32, #tpu.memory_space<vmem_shared>>) offsets(%dma_start3A_347 : memref<128xi32, #tpu.memory_space<vmem>>) semaphore(%arg16 : memref<!tpu.dma_semaphore, #tpu.memory_space<semaphore_mem>>) {add = true}
      %dma_wait3A_351 = arith.constant 0 : i32
      %dma_wait3A_352 = arith.constant 0 : i32
      %dma_wait3A_353 = tpu.memref_slice %arg2[%dma_wait3A_351, %dma_wait3A_352] : memref<20000x144xf32, #tpu.memory_space<hbm>> -> memref<128x144xf32, #tpu.memory_space<hbm>>
      %dma_wait3A_354 = arith.constant 0 : i32
      %dma_wait3A_355 = arith.constant 0 : i32
      %dma_wait3A_356 = tpu.memref_slice %arg2[%dma_wait3A_354, %dma_wait3A_355] : memref<20000x144xf32, #tpu.memory_space<hbm>> -> memref<128x144xf32, #tpu.memory_space<hbm>>
      tpu.wait_dma2 semaphore(%arg17 : memref<!tpu.dma_semaphore, #tpu.memory_space<semaphore_mem>>) src(%dma_wait3A_356 : memref<128x144xf32, #tpu.memory_space<hbm>>) dst(%arg9 : memref<128x144xf32, #tpu.memory_space<vmem>>)
      %dma_start3A_357 = arith.constant 3 : i32
      %dma_start3A_358 = arith.constant 0 : i32
      %dma_start3A_359 = arith.constant 0 : i32
      %dma_start3A_360 = tpu.memref_slice %arg7[%dma_start3A_357, %dma_start3A_358, %dma_start3A_359] : memref<4x2x128xi32, #tpu.memory_space<vmem>> -> memref<1x1x128xi32, #tpu.memory_space<vmem>>
      %dma_start3A_361 = tpu.memref_squeeze %dma_start3A_360 : memref<1x1x128xi32, #tpu.memory_space<vmem>> -> memref<128xi32, #tpu.memory_space<vmem>>
      %dma_start3A_362 = arith.constant 0 : i32
      %dma_start3A_363 = arith.constant 0 : i32
      %dma_start3A_364 = tpu.memref_slice %arg2[%dma_start3A_362, %dma_start3A_363] : memref<20000x144xf32, #tpu.memory_space<hbm>> -> memref<20000x144xf32, #tpu.memory_space<hbm>>
      tpu.enqueue_indirect_dma source(%dma_start3A_364 : memref<20000x144xf32, #tpu.memory_space<hbm>>) target(%arg9 : memref<128x144xf32, #tpu.memory_space<vmem>>) offsets(%dma_start3A_361 : memref<128xi32, #tpu.memory_space<vmem>>) semaphore(%arg15 : memref<!tpu.dma_semaphore, #tpu.memory_space<semaphore_mem>>)
      %dma_wait3A_365 = arith.constant 0 : i32
      %dma_wait3A_366 = arith.constant 0 : i32
      %dma_wait3A_367 = tpu.memref_slice %arg2[%dma_wait3A_365, %dma_wait3A_366] : memref<20000x144xf32, #tpu.memory_space<hbm>> -> memref<128x144xf32, #tpu.memory_space<hbm>>
      %dma_wait3A_368 = arith.constant 0 : i32
      %dma_wait3A_369 = arith.constant 0 : i32
      %dma_wait3A_370 = tpu.memref_slice %arg2[%dma_wait3A_368, %dma_wait3A_369] : memref<20000x144xf32, #tpu.memory_space<hbm>> -> memref<128x144xf32, #tpu.memory_space<hbm>>
      tpu.wait_dma2 semaphore(%arg15 : memref<!tpu.dma_semaphore, #tpu.memory_space<semaphore_mem>>) src(%dma_wait3A_370 : memref<128x144xf32, #tpu.memory_space<hbm>>) dst(%arg9 : memref<128x144xf32, #tpu.memory_space<vmem>>)
      %dma_start3A_371 = arith.constant 3 : i32
      %dma_start3A_372 = arith.constant 1 : i32
      %dma_start3A_373 = arith.constant 0 : i32
      %dma_start3A_374 = tpu.memref_slice %arg7[%dma_start3A_371, %dma_start3A_372, %dma_start3A_373] : memref<4x2x128xi32, #tpu.memory_space<vmem>> -> memref<1x1x128xi32, #tpu.memory_space<vmem>>
      %dma_start3A_375 = tpu.memref_squeeze %dma_start3A_374 : memref<1x1x128xi32, #tpu.memory_space<vmem>> -> memref<128xi32, #tpu.memory_space<vmem>>
      %dma_start3A_376 = arith.constant 0 : i32
      %dma_start3A_377 = arith.constant 0 : i32
      %dma_start3A_378 = tpu.memref_slice %arg11[%dma_start3A_376, %dma_start3A_377] : memref<10128x144xf32, #tpu.memory_space<vmem_shared>> -> memref<10128x144xf32, #tpu.memory_space<vmem_shared>>
      tpu.enqueue_indirect_dma source(%arg9 : memref<128x144xf32, #tpu.memory_space<vmem>>) target(%dma_start3A_378 : memref<10128x144xf32, #tpu.memory_space<vmem_shared>>) offsets(%dma_start3A_375 : memref<128xi32, #tpu.memory_space<vmem>>) semaphore(%arg17 : memref<!tpu.dma_semaphore, #tpu.memory_space<semaphore_mem>>) {add = true}
      %dma_wait3A_379 = arith.constant 0 : i32
      %dma_wait3A_380 = arith.constant 0 : i32
      %dma_wait3A_381 = tpu.memref_slice %arg2[%dma_wait3A_379, %dma_wait3A_380] : memref<20000x144xf32, #tpu.memory_space<hbm>> -> memref<128x144xf32, #tpu.memory_space<hbm>>
      %dma_wait3A_382 = arith.constant 0 : i32
      %dma_wait3A_383 = arith.constant 0 : i32
      %dma_wait3A_384 = tpu.memref_slice %arg2[%dma_wait3A_382, %dma_wait3A_383] : memref<20000x144xf32, #tpu.memory_space<hbm>> -> memref<128x144xf32, #tpu.memory_space<hbm>>
      tpu.wait_dma2 semaphore(%arg16 : memref<!tpu.dma_semaphore, #tpu.memory_space<semaphore_mem>>) src(%dma_wait3A_384 : memref<128x144xf32, #tpu.memory_space<hbm>>) dst(%arg8 : memref<128x144xf32, #tpu.memory_space<vmem>>)
      %not3A = arith.constant true
      %not3A_385 = arith.xori %eq3A_280, %not3A : i1
      %convert_element_type3A_386 = arith.extui %not3A_385 : i1 to i32
      %cond3A_387 = arith.constant 0 : i32
      %cond3A_388 = arith.cmpi ne, %convert_element_type3A_386, %cond3A_387 : i32
      scf.if %cond3A_388 {
        %dma_wait3A_396 = arith.constant 0 : i32
        %dma_wait3A_397 = arith.constant 0 : i32
        %dma_wait3A_398 = arith.constant 0 : i32
        %dma_wait3A_399 = tpu.memref_slice %arg3[%arg0, %dma_wait3A_396, %dma_wait3A_397, %dma_wait3A_398] : memref<2x2560x2x128xi32, #tpu.memory_space<hbm>> -> memref<1x2560x2x128xi32, #tpu.memory_space<hbm>>
        %dma_wait3A_400 = tpu.memref_squeeze %dma_wait3A_399 : memref<1x2560x2x128xi32, #tpu.memory_space<hbm>> -> memref<2560x2x128xi32, #tpu.memory_space<hbm>>
        %dma_wait3A_401 = arith.constant 0 : i32
        %dma_wait3A_402 = arith.constant 0 : i32
        %dma_wait3A_403 = arith.constant 0 : i32
        %dma_wait3A_404 = tpu.memref_slice %dma_wait3A_400[%dma_wait3A_401, %dma_wait3A_402, %dma_wait3A_403] : memref<2560x2x128xi32, #tpu.memory_space<hbm>> -> memref<4x2x128xi32, #tpu.memory_space<hbm>>
        %dma_wait3A_405 = arith.constant 0 : i32
        %dma_wait3A_406 = arith.constant 0 : i32
        %dma_wait3A_407 = arith.constant 0 : i32
        %dma_wait3A_408 = tpu.memref_slice %arg3[%arg0, %dma_wait3A_405, %dma_wait3A_406, %dma_wait3A_407] : memref<2x2560x2x128xi32, #tpu.memory_space<hbm>> -> memref<1x2560x2x128xi32, #tpu.memory_space<hbm>>
        %dma_wait3A_409 = tpu.memref_squeeze %dma_wait3A_408 : memref<1x2560x2x128xi32, #tpu.memory_space<hbm>> -> memref<2560x2x128xi32, #tpu.memory_space<hbm>>
        %dma_wait3A_410 = arith.constant 0 : i32
        %dma_wait3A_411 = arith.constant 0 : i32
        %dma_wait3A_412 = arith.constant 0 : i32
        %dma_wait3A_413 = tpu.memref_slice %dma_wait3A_409[%dma_wait3A_410, %dma_wait3A_411, %dma_wait3A_412] : memref<2560x2x128xi32, #tpu.memory_space<hbm>> -> memref<4x2x128xi32, #tpu.memory_space<hbm>>
        tpu.wait_dma2 semaphore(%arg12 : memref<!tpu.dma_semaphore, #tpu.memory_space<semaphore_mem>>) src(%dma_wait3A_413 : memref<4x2x128xi32, #tpu.memory_space<hbm>>) dst(%arg6 : memref<4x2x128xi32, #tpu.memory_space<vmem>>)
        %dma_start3A_414 = arith.constant 0 : i32
        %dma_start3A_415 = arith.constant 0 : i32
        %dma_start3A_416 = arith.constant 0 : i32
        %dma_start3A_417 = tpu.memref_slice %arg6[%dma_start3A_414, %dma_start3A_415, %dma_start3A_416] : memref<4x2x128xi32, #tpu.memory_space<vmem>> -> memref<1x1x128xi32, #tpu.memory_space<vmem>>
        %dma_start3A_418 = tpu.memref_squeeze %dma_start3A_417 : memref<1x1x128xi32, #tpu.memory_space<vmem>> -> memref<128xi32, #tpu.memory_space<vmem>>
        %dma_start3A_419 = arith.constant 0 : i32
        %dma_start3A_420 = arith.constant 0 : i32
        %dma_start3A_421 = tpu.memref_slice %arg2[%dma_start3A_419, %dma_start3A_420] : memref<20000x144xf32, #tpu.memory_space<hbm>> -> memref<20000x144xf32, #tpu.memory_space<hbm>>
        tpu.enqueue_indirect_dma source(%dma_start3A_421 : memref<20000x144xf32, #tpu.memory_space<hbm>>) target(%arg8 : memref<128x144xf32, #tpu.memory_space<vmem>>) offsets(%dma_start3A_418 : memref<128xi32, #tpu.memory_space<vmem>>) semaphore(%arg14 : memref<!tpu.dma_semaphore, #tpu.memory_space<semaphore_mem>>)
      } else {
      }
      %add3A_389 = arith.constant 2 : i32
      %add3A_390 = arith.addi %add3A_277, %add3A_389 : i32
      %lt3A_391 = arith.constant 40 : i32
      %lt3A_392 = arith.cmpi slt, %add3A_390, %lt3A_391 : i32
      %convert_element_type3A_393 = arith.extui %lt3A_392 : i1 to i32
      %cond3A_394 = arith.constant 0 : i32
      %cond3A_395 = arith.cmpi ne, %convert_element_type3A_393, %cond3A_394 : i32
      scf.if %cond3A_395 {
        %add3A_396 = arith.constant 2 : i32
        %add3A_397 = arith.addi %add3A_277, %add3A_396 : i32
        %mul3A_398 = arith.constant 4 : i32
        %mul3A_399 = arith.muli %add3A_397, %mul3A_398 : i32
        %add3A_400 = arith.addi %mul3A_0, %mul3A_399 : i32
        %dma_start3A_401 = arith.constant 0 : i32
        %dma_start3A_402 = arith.constant 0 : i32
        %dma_start3A_403 = arith.constant 0 : i32
        %dma_start3A_404 = tpu.memref_slice %arg3[%arg0, %dma_start3A_401, %dma_start3A_402, %dma_start3A_403] : memref<2x2560x2x128xi32, #tpu.memory_space<hbm>> -> memref<1x2560x2x128xi32, #tpu.memory_space<hbm>>
        %dma_start3A_405 = tpu.memref_squeeze %dma_start3A_404 : memref<1x2560x2x128xi32, #tpu.memory_space<hbm>> -> memref<2560x2x128xi32, #tpu.memory_space<hbm>>
        %dma_start3A_406 = arith.constant 0 : i32
        %dma_start3A_407 = arith.constant 0 : i32
        %dma_start3A_408 = tpu.memref_slice %dma_start3A_405[%add3A_400, %dma_start3A_406, %dma_start3A_407] : memref<2560x2x128xi32, #tpu.memory_space<hbm>> -> memref<4x2x128xi32, #tpu.memory_space<hbm>>
        %dma_start3A_409 = arith.constant 0 : i32
        %dma_start3A_410 = arith.constant 0 : i32
        %dma_start3A_411 = arith.constant 0 : i32
        %dma_start3A_412 = tpu.memref_slice %arg3[%arg0, %dma_start3A_409, %dma_start3A_410, %dma_start3A_411] : memref<2x2560x2x128xi32, #tpu.memory_space<hbm>> -> memref<1x2560x2x128xi32, #tpu.memory_space<hbm>>
        %dma_start3A_413 = tpu.memref_squeeze %dma_start3A_412 : memref<1x2560x2x128xi32, #tpu.memory_space<hbm>> -> memref<2560x2x128xi32, #tpu.memory_space<hbm>>
        %dma_start3A_414 = arith.constant 0 : i32
        %dma_start3A_415 = arith.constant 0 : i32
        %dma_start3A_416 = tpu.memref_slice %dma_start3A_413[%add3A_400, %dma_start3A_414, %dma_start3A_415] : memref<2560x2x128xi32, #tpu.memory_space<hbm>> -> memref<4x2x128xi32, #tpu.memory_space<hbm>>
        tpu.enqueue_dma source(%dma_start3A_416 : memref<4x2x128xi32, #tpu.memory_space<hbm>>) target(%arg7 : memref<4x2x128xi32, #tpu.memory_space<vmem>>) target_semaphore(%arg13 : memref<!tpu.dma_semaphore, #tpu.memory_space<semaphore_mem>>)
      } else {
      }
    }
    %scan3A_127 = arith.constant 20 : i32
    %dma_wait3A_128 = arith.constant 0 : i32
    %dma_wait3A_129 = arith.constant 0 : i32
    %dma_wait3A_130 = tpu.memref_slice %arg2[%dma_wait3A_128, %dma_wait3A_129] : memref<20000x144xf32, #tpu.memory_space<hbm>> -> memref<128x144xf32, #tpu.memory_space<hbm>>
    %dma_wait3A_131 = arith.constant 0 : i32
    %dma_wait3A_132 = arith.constant 0 : i32
    %dma_wait3A_133 = tpu.memref_slice %arg2[%dma_wait3A_131, %dma_wait3A_132] : memref<20000x144xf32, #tpu.memory_space<hbm>> -> memref<128x144xf32, #tpu.memory_space<hbm>>
    tpu.wait_dma2 semaphore(%arg17 : memref<!tpu.dma_semaphore, #tpu.memory_space<semaphore_mem>>) src(%dma_wait3A_133 : memref<128x144xf32, #tpu.memory_space<hbm>>) dst(%arg9 : memref<128x144xf32, #tpu.memory_space<vmem>>)
    %barrier3A_134 = arith.constant 0 : index
    tpu.barrier barrier_id(%barrier3A_134)
    %mul3A_135 = arith.constant 625 : i32
    %mul3A_136 = arith.muli %arg1, %mul3A_135 : i32
    %mul3A_137 = arith.constant 625 : i32
    %mul3A_138 = arith.muli %arg1, %mul3A_137 : i32
    "tpu.region"() ({
      %run_scoped3A = tpu.sem_alloc : memref<!tpu.dma_semaphore, #tpu.memory_space<semaphore_mem>>
      %dma_start3A_139 = arith.constant 0 : i32
      %dma_start3A_140 = arith.constant 0 : i32
      %dma_start3A_141 = tpu.memref_slice %arg5[%arg0, %dma_start3A_139, %dma_start3A_140] : memref<2x10000x144xf32, #tpu.memory_space<hbm>> -> memref<1x10000x144xf32, #tpu.memory_space<hbm>>
      %dma_start3A_142 = tpu.memref_squeeze %dma_start3A_141 : memref<1x10000x144xf32, #tpu.memory_space<hbm>> -> memref<10000x144xf32, #tpu.memory_space<hbm>>
      %dma_start3A_143 = arith.constant 0 : i32
      %dma_start3A_144 = tpu.memref_slice %dma_start3A_142[%mul3A_138, %dma_start3A_143] : memref<10000x144xf32, #tpu.memory_space<hbm>> -> memref<625x144xf32, #tpu.memory_space<hbm>>
      %dma_start3A_145 = arith.constant 0 : i32
      %dma_start3A_146 = tpu.memref_slice %arg11[%mul3A_136, %dma_start3A_145] : memref<10128x144xf32, #tpu.memory_space<vmem_shared>> -> memref<625x144xf32, #tpu.memory_space<vmem_shared>>
      tpu.enqueue_dma source(%dma_start3A_146 : memref<625x144xf32, #tpu.memory_space<vmem_shared>>) target(%dma_start3A_144 : memref<625x144xf32, #tpu.memory_space<hbm>>) target_semaphore(%run_scoped3A : memref<!tpu.dma_semaphore, #tpu.memory_space<semaphore_mem>>)
      %dma_wait3A_147 = arith.constant 0 : i32
      %dma_wait3A_148 = arith.constant 0 : i32
      %dma_wait3A_149 = tpu.memref_slice %arg5[%arg0, %dma_wait3A_147, %dma_wait3A_148] : memref<2x10000x144xf32, #tpu.memory_space<hbm>> -> memref<1x10000x144xf32, #tpu.memory_space<hbm>>
      %dma_wait3A_150 = tpu.memref_squeeze %dma_wait3A_149 : memref<1x10000x144xf32, #tpu.memory_space<hbm>> -> memref<10000x144xf32, #tpu.memory_space<hbm>>
      %dma_wait3A_151 = arith.constant 0 : i32
      %dma_wait3A_152 = tpu.memref_slice %dma_wait3A_150[%mul3A_138, %dma_wait3A_151] : memref<10000x144xf32, #tpu.memory_space<hbm>> -> memref<625x144xf32, #tpu.memory_space<hbm>>
      %dma_wait3A_153 = arith.constant 0 : i32
      %dma_wait3A_154 = tpu.memref_slice %arg11[%mul3A_136, %dma_wait3A_153] : memref<10128x144xf32, #tpu.memory_space<vmem_shared>> -> memref<625x144xf32, #tpu.memory_space<vmem_shared>>
      tpu.wait_dma2 semaphore(%run_scoped3A : memref<!tpu.dma_semaphore, #tpu.memory_space<semaphore_mem>>) src(%dma_wait3A_154 : memref<625x144xf32, #tpu.memory_space<vmem_shared>>) dst(%dma_wait3A_152 : memref<625x144xf32, #tpu.memory_space<hbm>>)
      tpu.yield
    }) : () -> ()
    return
  }
}

module attributes {stable_mosaic.version = 14 : i64} {
  func.func @_pre_body(%arg0: i32, %arg1: memref<2000x128xf32, #tpu.memory_space<vmem>>, %arg2: memref<2000x128xf32, #tpu.memory_space<vmem>>, %arg3: memref<2000x1xf32, #tpu.memory_space<vmem>>, %arg4: memref<2000x128xf32, #tpu.memory_space<vmem>>, %arg5: memref<2000x1xf32, #tpu.memory_space<vmem>>, %arg6: memref<2x2000x144xf32, #tpu.memory_space<vmem>>) attributes {dimension_semantics = [#tpu.dimension_semantics<arbitrary>], iteration_bounds = array<i64: 5>, scalar_prefetch = 0 : i64, scratch_operands = 0 : i64, tpu.core_type = #tpu.core_type<tc>, window_params = [{transform_indices = @transform_0, window_bounds = array<i64: 2000, 128>}, {transform_indices = @transform_1, window_bounds = array<i64: 2000, 128>}, {transform_indices = @transform_2, window_bounds = array<i64: 2000, 1>}, {transform_indices = @transform_3, window_bounds = array<i64: 2000, 128>}, {transform_indices = @transform_4, window_bounds = array<i64: 2000, 1>}, {transform_indices = @transform_5, window_bounds = array<i64: 2, 2000, 144>}]} {
    %get3A = arith.constant 0 : index
    %get3A_0 = arith.constant 0 : index
    %get3A_1 = vector.load %arg1[%get3A, %get3A_0] : memref<2000x128xf32, #tpu.memory_space<vmem>>, vector<2000x128xf32>
    %broadcast_in_dim3A = arith.constant 1.000000e+00 : f32
    %broadcast_in_dim3A_2 = vector.broadcast %broadcast_in_dim3A : f32 to vector<2000x1xf32>
    %broadcast_in_dim3A_3 = arith.constant 0.000000e+00 : f32
    %broadcast_in_dim3A_4 = vector.broadcast %broadcast_in_dim3A_3 : f32 to vector<2000x15xf32>
    %get3A_5 = arith.constant 0 : index
    %get3A_6 = arith.constant 0 : index
    %get3A_7 = vector.load %arg2[%get3A_5, %get3A_6] : memref<2000x128xf32, #tpu.memory_space<vmem>>, vector<2000x128xf32>
    %get3A_8 = arith.constant 0 : index
    %get3A_9 = arith.constant 0 : index
    %get3A_10 = vector.load %arg3[%get3A_8, %get3A_9] : memref<2000x1xf32, #tpu.memory_space<vmem>>, vector<2000x1xf32>
    %mul3A = arith.mulf %get3A_7, %get3A_7 : vector<2000x128xf32>
    %reduce_sum3A = arith.constant dense<0.000000e+00> : vector<2000xf32>
    %reduce_sum3A_11 = vector.multi_reduction <add>, %mul3A, %reduce_sum3A [1] : vector<2000x128xf32> to vector<2000xf32>
    %broadcast_in_dim3A_12 = vector.shape_cast %reduce_sum3A_11 : vector<2000xf32> to vector<2000x1xf32>
    %sqrt3A = math.sqrt %broadcast_in_dim3A_12 : vector<2000x1xf32>
    %add3A = arith.constant 9.99999997E-7 : f32
    %add3A_13 = vector.broadcast %add3A : f32 to vector<2000x1xf32>
    %add3A_14 = arith.addf %sqrt3A, %add3A_13 : vector<2000x1xf32>
    %div3A = vector.broadcast %add3A_14 : vector<2000x1xf32> to vector<2000x128xf32>
    %div3A_15 = arith.divf %get3A_7, %div3A : vector<2000x128xf32>
    %custom_jvp_call3A = arith.constant 0.000000e+00 : f32
    %max3A = vector.broadcast %custom_jvp_call3A : f32 to vector<2000x1xf32>
    %max3A_16 = arith.maximumf %get3A_10, %max3A : vector<2000x1xf32>
    %sub3A = vector.broadcast %custom_jvp_call3A : f32 to vector<2000x1xf32>
    %sub3A_17 = arith.subf %get3A_10, %sub3A : vector<2000x1xf32>
    %ne3A = arith.cmpf one, %sub3A_17, %sub3A_17 : vector<2000x1xf32>
    %add3A_18 = vector.broadcast %custom_jvp_call3A : f32 to vector<2000x1xf32>
    %add3A_19 = arith.addf %get3A_10, %add3A_18 : vector<2000x1xf32>
    %abs3A = math.absf %sub3A_17 : vector<2000x1xf32>
    %neg3A = arith.constant 0.000000e+00 : f32
    %neg3A_20 = vector.broadcast %neg3A : f32 to vector<2000x1xf32>
    %neg3A_21 = arith.subf %neg3A_20, %abs3A : vector<2000x1xf32>
    %exp3A = math.exp %neg3A_21 : vector<2000x1xf32>
    %log1p3A = math.log1p %exp3A : vector<2000x1xf32>
    %add3A_22 = arith.addf %max3A_16, %log1p3A : vector<2000x1xf32>
    %select_n3A = arith.select %ne3A, %add3A_19, %add3A_22 : vector<2000x1xi1>, vector<2000x1xf32>
    %mul3A_23 = arith.constant 2.000000e+00 : f32
    %mul3A_24 = vector.broadcast %mul3A_23 : f32 to vector<2000x128xf32>
    %mul3A_25 = arith.mulf %mul3A_24, %div3A_15 : vector<2000x128xf32>
    %mul3A_26 = arith.mulf %div3A_15, %get3A_1 : vector<2000x128xf32>
    %reduce_sum3A_27 = arith.constant dense<0.000000e+00> : vector<2000xf32>
    %reduce_sum3A_28 = vector.multi_reduction <add>, %mul3A_26, %reduce_sum3A_27 [1] : vector<2000x128xf32> to vector<2000xf32>
    %broadcast_in_dim3A_29 = vector.shape_cast %reduce_sum3A_28 : vector<2000xf32> to vector<2000x1xf32>
    %mul3A_30 = vector.broadcast %broadcast_in_dim3A_29 : vector<2000x1xf32> to vector<2000x128xf32>
    %mul3A_31 = arith.mulf %mul3A_25, %mul3A_30 : vector<2000x128xf32>
    %sub3A_32 = arith.subf %get3A_1, %mul3A_31 : vector<2000x128xf32>
    %mul3A_33 = vector.broadcast %select_n3A : vector<2000x1xf32> to vector<2000x128xf32>
    %mul3A_34 = arith.mulf %mul3A_33, %sub3A_32 : vector<2000x128xf32>
    %get3A_35 = arith.constant 0 : index
    %get3A_36 = arith.constant 0 : index
    %get3A_37 = vector.load %arg4[%get3A_35, %get3A_36] : memref<2000x128xf32, #tpu.memory_space<vmem>>, vector<2000x128xf32>
    %get3A_38 = arith.constant 0 : index
    %get3A_39 = arith.constant 0 : index
    %get3A_40 = vector.load %arg5[%get3A_38, %get3A_39] : memref<2000x1xf32, #tpu.memory_space<vmem>>, vector<2000x1xf32>
    %mul3A_41 = arith.mulf %get3A_37, %get3A_37 : vector<2000x128xf32>
    %reduce_sum3A_42 = arith.constant dense<0.000000e+00> : vector<2000xf32>
    %reduce_sum3A_43 = vector.multi_reduction <add>, %mul3A_41, %reduce_sum3A_42 [1] : vector<2000x128xf32> to vector<2000xf32>
    %broadcast_in_dim3A_44 = vector.shape_cast %reduce_sum3A_43 : vector<2000xf32> to vector<2000x1xf32>
    %sqrt3A_45 = math.sqrt %broadcast_in_dim3A_44 : vector<2000x1xf32>
    %add3A_46 = arith.constant 9.99999997E-7 : f32
    %add3A_47 = vector.broadcast %add3A_46 : f32 to vector<2000x1xf32>
    %add3A_48 = arith.addf %sqrt3A_45, %add3A_47 : vector<2000x1xf32>
    %div3A_49 = vector.broadcast %add3A_48 : vector<2000x1xf32> to vector<2000x128xf32>
    %div3A_50 = arith.divf %get3A_37, %div3A_49 : vector<2000x128xf32>
    %custom_jvp_call3A_51 = arith.constant 0.000000e+00 : f32
    %max3A_52 = vector.broadcast %custom_jvp_call3A_51 : f32 to vector<2000x1xf32>
    %max3A_53 = arith.maximumf %get3A_40, %max3A_52 : vector<2000x1xf32>
    %sub3A_54 = vector.broadcast %custom_jvp_call3A_51 : f32 to vector<2000x1xf32>
    %sub3A_55 = arith.subf %get3A_40, %sub3A_54 : vector<2000x1xf32>
    %ne3A_56 = arith.cmpf one, %sub3A_55, %sub3A_55 : vector<2000x1xf32>
    %add3A_57 = vector.broadcast %custom_jvp_call3A_51 : f32 to vector<2000x1xf32>
    %add3A_58 = arith.addf %get3A_40, %add3A_57 : vector<2000x1xf32>
    %abs3A_59 = math.absf %sub3A_55 : vector<2000x1xf32>
    %neg3A_60 = arith.constant 0.000000e+00 : f32
    %neg3A_61 = vector.broadcast %neg3A_60 : f32 to vector<2000x1xf32>
    %neg3A_62 = arith.subf %neg3A_61, %abs3A_59 : vector<2000x1xf32>
    %exp3A_63 = math.exp %neg3A_62 : vector<2000x1xf32>
    %log1p3A_64 = math.log1p %exp3A_63 : vector<2000x1xf32>
    %add3A_65 = arith.addf %max3A_53, %log1p3A_64 : vector<2000x1xf32>
    %select_n3A_66 = arith.select %ne3A_56, %add3A_58, %add3A_65 : vector<2000x1xi1>, vector<2000x1xf32>
    %mul3A_67 = arith.constant 2.000000e+00 : f32
    %mul3A_68 = vector.broadcast %mul3A_67 : f32 to vector<2000x128xf32>
    %mul3A_69 = arith.mulf %mul3A_68, %div3A_50 : vector<2000x128xf32>
    %mul3A_70 = arith.mulf %div3A_50, %get3A_1 : vector<2000x128xf32>
    %reduce_sum3A_71 = arith.constant dense<0.000000e+00> : vector<2000xf32>
    %reduce_sum3A_72 = vector.multi_reduction <add>, %mul3A_70, %reduce_sum3A_71 [1] : vector<2000x128xf32> to vector<2000xf32>
    %broadcast_in_dim3A_73 = vector.shape_cast %reduce_sum3A_72 : vector<2000xf32> to vector<2000x1xf32>
    %mul3A_74 = vector.broadcast %broadcast_in_dim3A_73 : vector<2000x1xf32> to vector<2000x128xf32>
    %mul3A_75 = arith.mulf %mul3A_69, %mul3A_74 : vector<2000x128xf32>
    %sub3A_76 = arith.subf %get3A_1, %mul3A_75 : vector<2000x128xf32>
    %mul3A_77 = vector.broadcast %select_n3A_66 : vector<2000x1xf32> to vector<2000x128xf32>
    %mul3A_78 = arith.mulf %mul3A_77, %sub3A_76 : vector<2000x128xf32>
    %concatenate3A = tpu.concatenate %mul3A_34, %broadcast_in_dim3A_2, %broadcast_in_dim3A_4 in 1 : vector<2000x128xf32>, vector<2000x1xf32>, vector<2000x15xf32> -> vector<2000x144xf32>
    %swap3A = arith.constant 0 : index
    %swap3A_79 = arith.constant 0 : index
    %swap3A_80 = arith.constant 0 : index
    %swap3A_81 = vector.load %arg6[%swap3A, %swap3A_79, %swap3A_80] : memref<2x2000x144xf32, #tpu.memory_space<vmem>>, vector<1x2000x144xf32>
    %swap3A_82 = vector.shape_cast %swap3A_81 : vector<1x2000x144xf32> to vector<2000x144xf32>
    %swap3A_83 = vector.shape_cast %concatenate3A : vector<2000x144xf32> to vector<1x2000x144xf32>
    tpu.vector_store %arg6[%swap3A, %swap3A_79, %swap3A_80], %swap3A_83 {strides = array<i32>} : memref<2x2000x144xf32, #tpu.memory_space<vmem>>, vector<1x2000x144xf32>,
    %concatenate3A_84 = tpu.concatenate %mul3A_78, %broadcast_in_dim3A_2, %broadcast_in_dim3A_4 in 1 : vector<2000x128xf32>, vector<2000x1xf32>, vector<2000x15xf32> -> vector<2000x144xf32>
    %swap3A_85 = arith.constant 1 : index
    %swap3A_86 = arith.constant 0 : index
    %swap3A_87 = arith.constant 0 : index
    %swap3A_88 = vector.load %arg6[%swap3A_85, %swap3A_86, %swap3A_87] : memref<2x2000x144xf32, #tpu.memory_space<vmem>>, vector<1x2000x144xf32>
    %swap3A_89 = vector.shape_cast %swap3A_88 : vector<1x2000x144xf32> to vector<2000x144xf32>
    %swap3A_90 = vector.shape_cast %concatenate3A_84 : vector<2000x144xf32> to vector<1x2000x144xf32>
    tpu.vector_store %arg6[%swap3A_85, %swap3A_86, %swap3A_87], %swap3A_90 {strides = array<i32>} : memref<2x2000x144xf32, #tpu.memory_space<vmem>>, vector<1x2000x144xf32>,
    return
  }
  func.func @transform_0(%arg0: i32) -> (i32, i32) {
    %c0_i32 = arith.constant 0 : i32
    %c0_i32_0 = arith.constant 0 : i32
    return %arg0, %c0_i32 : i32, i32
  }
  func.func @transform_1(%arg0: i32) -> (i32, i32) {
    %c0_i32 = arith.constant 0 : i32
    %c0_i32_0 = arith.constant 0 : i32
    return %arg0, %c0_i32 : i32, i32
  }
  func.func @transform_2(%arg0: i32) -> (i32, i32) {
    %c0_i32 = arith.constant 0 : i32
    %c0_i32_0 = arith.constant 0 : i32
    return %arg0, %c0_i32 : i32, i32
  }
  func.func @transform_3(%arg0: i32) -> (i32, i32) {
    %c0_i32 = arith.constant 0 : i32
    %c0_i32_0 = arith.constant 0 : i32
    return %arg0, %c0_i32 : i32, i32
  }
  func.func @transform_4(%arg0: i32) -> (i32, i32) {
    %c0_i32 = arith.constant 0 : i32
    %c0_i32_0 = arith.constant 0 : i32
    return %arg0, %c0_i32 : i32, i32
  }
  func.func @transform_5(%arg0: i32) -> (i32, i32, i32) {
    %c0_i32 = arith.constant 0 : i32
    %c0_i32_0 = arith.constant 0 : i32
    %c0_i32_1 = arith.constant 0 : i32
    return %c0_i32, %arg0, %c0_i32_0 : i32, i32, i32
  }
}

module attributes {stable_mosaic.version = 14 : i64} {
  func.func @_post_body(%arg0: i32, %arg1: memref<2000x128xf32, #tpu.memory_space<vmem>>, %arg2: memref<1x2000x144xf32, #tpu.memory_space<vmem>>, %arg3: memref<1x2000x144xf32, #tpu.memory_space<vmem>>, %arg4: memref<2000x128xf32, #tpu.memory_space<vmem>>, %arg5: memref<2000x1xf32, #tpu.memory_space<vmem>>, %arg6: memref<2000x128xf32, #tpu.memory_space<vmem>>, %arg7: memref<2000x1xf32, #tpu.memory_space<vmem>>, %arg8: memref<128x128xf32, #tpu.memory_space<vmem>>, %arg9: memref<128x128xf32, #tpu.memory_space<vmem>>, %arg10: memref<128x128xf32, #tpu.memory_space<vmem>>, %arg11: memref<1x128xf32, #tpu.memory_space<vmem>>, %arg12: memref<1x1xf32, #tpu.memory_space<vmem>>, %arg13: memref<1x1xf32, #tpu.memory_space<vmem>>, %arg14: memref<2000x128xf32, #tpu.memory_space<vmem>>) attributes {dimension_semantics = [#tpu.dimension_semantics<arbitrary>], iteration_bounds = array<i64: 5>, scalar_prefetch = 0 : i64, scratch_operands = 0 : i64, tpu.core_type = #tpu.core_type<tc>, window_params = [{transform_indices = @transform_0, window_bounds = array<i64: 2000, 128>}, {transform_indices = @transform_1, window_bounds = array<i64: 1, 2000, 144>}, {transform_indices = @transform_2, window_bounds = array<i64: 1, 2000, 144>}, {transform_indices = @transform_3, window_bounds = array<i64: 2000, 128>}, {transform_indices = @transform_4, window_bounds = array<i64: 2000, 1>}, {transform_indices = @transform_5, window_bounds = array<i64: 2000, 128>}, {transform_indices = @transform_6, window_bounds = array<i64: 2000, 1>}, {pipeline_mode = #tpu.pipeline_mode<synchronous>, transform_indices = @transform_7, window_bounds = array<i64: 128, 128>}, {pipeline_mode = #tpu.pipeline_mode<synchronous>, transform_indices = @transform_8, window_bounds = array<i64: 128, 128>}, {pipeline_mode = #tpu.pipeline_mode<synchronous>, transform_indices = @transform_9, window_bounds = array<i64: 128, 128>}, {pipeline_mode = #tpu.pipeline_mode<synchronous>, transform_indices = @transform_10, window_bounds = array<i64: 1, 128>}, {pipeline_mode = #tpu.pipeline_mode<synchronous>, transform_indices = @transform_11, window_bounds = array<i64: 1, 1>}, {pipeline_mode = #tpu.pipeline_mode<synchronous>, transform_indices = @transform_12, window_bounds = array<i64: 1, 1>}, {transform_indices = @transform_13, window_bounds = array<i64: 2000, 128>}]} {
    %get3A = arith.constant 0 : index
    %get3A_0 = arith.constant 0 : index
    %get3A_1 = vector.load %arg1[%get3A, %get3A_0] : memref<2000x128xf32, #tpu.memory_space<vmem>>, vector<2000x128xf32>
    %get3A_2 = arith.constant 0 : index
    %get3A_3 = arith.constant 0 : index
    %get3A_4 = arith.constant 128 : index
    %get3A_5 = vector.load %arg2[%get3A_2, %get3A_3, %get3A_4] : memref<1x2000x144xf32, #tpu.memory_space<vmem>>, vector<1x2000x1xf32>
    %get3A_6 = vector.shape_cast %get3A_5 : vector<1x2000x1xf32> to vector<2000x1xf32>
    %get3A_7 = arith.constant 0 : index
    %get3A_8 = arith.constant 0 : index
    %get3A_9 = arith.constant 128 : index
    %get3A_10 = vector.load %arg3[%get3A_7, %get3A_8, %get3A_9] : memref<1x2000x144xf32, #tpu.memory_space<vmem>>, vector<1x2000x1xf32>
    %get3A_11 = vector.shape_cast %get3A_10 : vector<1x2000x1xf32> to vector<2000x1xf32>
    %get3A_12 = arith.constant 0 : index
    %get3A_13 = arith.constant 0 : index
    %get3A_14 = arith.constant 0 : index
    %get3A_15 = vector.load %arg2[%get3A_12, %get3A_13, %get3A_14] : memref<1x2000x144xf32, #tpu.memory_space<vmem>>, vector<1x2000x128xf32>
    %get3A_16 = vector.shape_cast %get3A_15 : vector<1x2000x128xf32> to vector<2000x128xf32>
    %get3A_17 = arith.constant 0 : index
    %get3A_18 = arith.constant 0 : index
    %get3A_19 = vector.load %arg4[%get3A_17, %get3A_18] : memref<2000x128xf32, #tpu.memory_space<vmem>>, vector<2000x128xf32>
    %get3A_20 = arith.constant 0 : index
    %get3A_21 = arith.constant 0 : index
    %get3A_22 = vector.load %arg5[%get3A_20, %get3A_21] : memref<2000x1xf32, #tpu.memory_space<vmem>>, vector<2000x1xf32>
    %mul3A = arith.mulf %get3A_19, %get3A_19 : vector<2000x128xf32>
    %reduce_sum3A = arith.constant dense<0.000000e+00> : vector<2000xf32>
    %reduce_sum3A_23 = vector.multi_reduction <add>, %mul3A, %reduce_sum3A [1] : vector<2000x128xf32> to vector<2000xf32>
    %broadcast_in_dim3A = vector.shape_cast %reduce_sum3A_23 : vector<2000xf32> to vector<2000x1xf32>
    %sqrt3A = math.sqrt %broadcast_in_dim3A : vector<2000x1xf32>
    %add3A = arith.constant 9.99999997E-7 : f32
    %add3A_24 = vector.broadcast %add3A : f32 to vector<2000x1xf32>
    %add3A_25 = arith.addf %sqrt3A, %add3A_24 : vector<2000x1xf32>
    %div3A = vector.broadcast %add3A_25 : vector<2000x1xf32> to vector<2000x128xf32>
    %div3A_26 = arith.divf %get3A_19, %div3A : vector<2000x128xf32>
    %custom_jvp_call3A = arith.constant 0.000000e+00 : f32
    %max3A = vector.broadcast %custom_jvp_call3A : f32 to vector<2000x1xf32>
    %max3A_27 = arith.maximumf %get3A_22, %max3A : vector<2000x1xf32>
    %sub3A = vector.broadcast %custom_jvp_call3A : f32 to vector<2000x1xf32>
    %sub3A_28 = arith.subf %get3A_22, %sub3A : vector<2000x1xf32>
    %ne3A = arith.cmpf one, %sub3A_28, %sub3A_28 : vector<2000x1xf32>
    %add3A_29 = vector.broadcast %custom_jvp_call3A : f32 to vector<2000x1xf32>
    %add3A_30 = arith.addf %get3A_22, %add3A_29 : vector<2000x1xf32>
    %abs3A = math.absf %sub3A_28 : vector<2000x1xf32>
    %neg3A = arith.constant 0.000000e+00 : f32
    %neg3A_31 = vector.broadcast %neg3A : f32 to vector<2000x1xf32>
    %neg3A_32 = arith.subf %neg3A_31, %abs3A : vector<2000x1xf32>
    %exp3A = math.exp %neg3A_32 : vector<2000x1xf32>
    %log1p3A = math.log1p %exp3A : vector<2000x1xf32>
    %add3A_33 = arith.addf %max3A_27, %log1p3A : vector<2000x1xf32>
    %select_n3A = arith.select %ne3A, %add3A_30, %add3A_33 : vector<2000x1xi1>, vector<2000x1xf32>
    %mul3A_34 = arith.constant 2.000000e+00 : f32
    %mul3A_35 = vector.broadcast %mul3A_34 : f32 to vector<2000x128xf32>
    %mul3A_36 = arith.mulf %mul3A_35, %div3A_26 : vector<2000x128xf32>
    %mul3A_37 = arith.mulf %div3A_26, %get3A_16 : vector<2000x128xf32>
    %reduce_sum3A_38 = arith.constant dense<0.000000e+00> : vector<2000xf32>
    %reduce_sum3A_39 = vector.multi_reduction <add>, %mul3A_37, %reduce_sum3A_38 [1] : vector<2000x128xf32> to vector<2000xf32>
    %broadcast_in_dim3A_40 = vector.shape_cast %reduce_sum3A_39 : vector<2000xf32> to vector<2000x1xf32>
    %mul3A_41 = vector.broadcast %broadcast_in_dim3A_40 : vector<2000x1xf32> to vector<2000x128xf32>
    %mul3A_42 = arith.mulf %mul3A_36, %mul3A_41 : vector<2000x128xf32>
    %sub3A_43 = arith.subf %get3A_16, %mul3A_42 : vector<2000x128xf32>
    %mul3A_44 = vector.broadcast %select_n3A : vector<2000x1xf32> to vector<2000x128xf32>
    %mul3A_45 = arith.mulf %mul3A_44, %sub3A_43 : vector<2000x128xf32>
    %get3A_46 = arith.constant 0 : index
    %get3A_47 = arith.constant 0 : index
    %get3A_48 = arith.constant 0 : index
    %get3A_49 = vector.load %arg3[%get3A_46, %get3A_47, %get3A_48] : memref<1x2000x144xf32, #tpu.memory_space<vmem>>, vector<1x2000x128xf32>
    %get3A_50 = vector.shape_cast %get3A_49 : vector<1x2000x128xf32> to vector<2000x128xf32>
    %get3A_51 = arith.constant 0 : index
    %get3A_52 = arith.constant 0 : index
    %get3A_53 = vector.load %arg6[%get3A_51, %get3A_52] : memref<2000x128xf32, #tpu.memory_space<vmem>>, vector<2000x128xf32>
    %get3A_54 = arith.constant 0 : index
    %get3A_55 = arith.constant 0 : index
    %get3A_56 = vector.load %arg7[%get3A_54, %get3A_55] : memref<2000x1xf32, #tpu.memory_space<vmem>>, vector<2000x1xf32>
    %mul3A_57 = arith.mulf %get3A_53, %get3A_53 : vector<2000x128xf32>
    %reduce_sum3A_58 = arith.constant dense<0.000000e+00> : vector<2000xf32>
    %reduce_sum3A_59 = vector.multi_reduction <add>, %mul3A_57, %reduce_sum3A_58 [1] : vector<2000x128xf32> to vector<2000xf32>
    %broadcast_in_dim3A_60 = vector.shape_cast %reduce_sum3A_59 : vector<2000xf32> to vector<2000x1xf32>
    %sqrt3A_61 = math.sqrt %broadcast_in_dim3A_60 : vector<2000x1xf32>
    %add3A_62 = arith.constant 9.99999997E-7 : f32
    %add3A_63 = vector.broadcast %add3A_62 : f32 to vector<2000x1xf32>
    %add3A_64 = arith.addf %sqrt3A_61, %add3A_63 : vector<2000x1xf32>
    %div3A_65 = vector.broadcast %add3A_64 : vector<2000x1xf32> to vector<2000x128xf32>
    %div3A_66 = arith.divf %get3A_53, %div3A_65 : vector<2000x128xf32>
    %custom_jvp_call3A_67 = arith.constant 0.000000e+00 : f32
    %max3A_68 = vector.broadcast %custom_jvp_call3A_67 : f32 to vector<2000x1xf32>
    %max3A_69 = arith.maximumf %get3A_56, %max3A_68 : vector<2000x1xf32>
    %sub3A_70 = vector.broadcast %custom_jvp_call3A_67 : f32 to vector<2000x1xf32>
    %sub3A_71 = arith.subf %get3A_56, %sub3A_70 : vector<2000x1xf32>
    %ne3A_72 = arith.cmpf one, %sub3A_71, %sub3A_71 : vector<2000x1xf32>
    %add3A_73 = vector.broadcast %custom_jvp_call3A_67 : f32 to vector<2000x1xf32>
    %add3A_74 = arith.addf %get3A_56, %add3A_73 : vector<2000x1xf32>
    %abs3A_75 = math.absf %sub3A_71 : vector<2000x1xf32>
    %neg3A_76 = arith.constant 0.000000e+00 : f32
    %neg3A_77 = vector.broadcast %neg3A_76 : f32 to vector<2000x1xf32>
    %neg3A_78 = arith.subf %neg3A_77, %abs3A_75 : vector<2000x1xf32>
    %exp3A_79 = math.exp %neg3A_78 : vector<2000x1xf32>
    %log1p3A_80 = math.log1p %exp3A_79 : vector<2000x1xf32>
    %add3A_81 = arith.addf %max3A_69, %log1p3A_80 : vector<2000x1xf32>
    %select_n3A_82 = arith.select %ne3A_72, %add3A_74, %add3A_81 : vector<2000x1xi1>, vector<2000x1xf32>
    %mul3A_83 = arith.constant 2.000000e+00 : f32
    %mul3A_84 = vector.broadcast %mul3A_83 : f32 to vector<2000x128xf32>
    %mul3A_85 = arith.mulf %mul3A_84, %div3A_66 : vector<2000x128xf32>
    %mul3A_86 = arith.mulf %div3A_66, %get3A_50 : vector<2000x128xf32>
    %reduce_sum3A_87 = arith.constant dense<0.000000e+00> : vector<2000xf32>
    %reduce_sum3A_88 = vector.multi_reduction <add>, %mul3A_86, %reduce_sum3A_87 [1] : vector<2000x128xf32> to vector<2000xf32>
    %broadcast_in_dim3A_89 = vector.shape_cast %reduce_sum3A_88 : vector<2000xf32> to vector<2000x1xf32>
    %mul3A_90 = vector.broadcast %broadcast_in_dim3A_89 : vector<2000x1xf32> to vector<2000x128xf32>
    %mul3A_91 = arith.mulf %mul3A_85, %mul3A_90 : vector<2000x128xf32>
    %sub3A_92 = arith.subf %get3A_50, %mul3A_91 : vector<2000x128xf32>
    %mul3A_93 = vector.broadcast %select_n3A_82 : vector<2000x1xf32> to vector<2000x128xf32>
    %mul3A_94 = arith.mulf %mul3A_93, %sub3A_92 : vector<2000x128xf32>
    %mul3A_95 = vector.broadcast %get3A_6 : vector<2000x1xf32> to vector<2000x128xf32>
    %mul3A_96 = arith.mulf %mul3A_95, %get3A_1 : vector<2000x128xf32>
    %sub3A_97 = arith.subf %mul3A_96, %mul3A_45 : vector<2000x128xf32>
    %max3A_98 = arith.constant 1.000000e+00 : f32
    %max3A_99 = vector.broadcast %max3A_98 : f32 to vector<2000x1xf32>
    %max3A_100 = arith.maximumf %get3A_6, %max3A_99 : vector<2000x1xf32>
    %div3A_101 = vector.broadcast %max3A_100 : vector<2000x1xf32> to vector<2000x128xf32>
    %div3A_102 = arith.divf %sub3A_97, %div3A_101 : vector<2000x128xf32>
    %mul3A_103 = vector.broadcast %get3A_11 : vector<2000x1xf32> to vector<2000x128xf32>
    %mul3A_104 = arith.mulf %mul3A_103, %get3A_1 : vector<2000x128xf32>
    %sub3A_105 = arith.subf %mul3A_104, %mul3A_94 : vector<2000x128xf32>
    %max3A_106 = arith.constant 1.000000e+00 : f32
    %max3A_107 = vector.broadcast %max3A_106 : f32 to vector<2000x1xf32>
    %max3A_108 = arith.maximumf %get3A_11, %max3A_107 : vector<2000x1xf32>
    %div3A_109 = vector.broadcast %max3A_108 : vector<2000x1xf32> to vector<2000x128xf32>
    %div3A_110 = arith.divf %sub3A_105, %div3A_109 : vector<2000x128xf32>
    %get3A_111 = arith.constant 0 : index
    %get3A_112 = arith.constant 0 : index
    %get3A_113 = vector.load %arg12[%get3A_111, %get3A_112] : memref<1x1xf32, #tpu.memory_space<vmem>>, vector<1x1xf32>
    %get3A_114 = vector.extract %get3A_113[0, 0] : f32 from vector<1x1xf32>
    %get3A_115 = arith.constant 0 : index
    %get3A_116 = arith.constant 0 : index
    %get3A_117 = vector.load %arg8[%get3A_115, %get3A_116] : memref<128x128xf32, #tpu.memory_space<vmem>>, vector<128x128xf32>
    %dot_general3A = arith.constant dense<0.000000e+00> : vector<2000x128xf32>
    %dot_general3A_118 = tpu.matmul %div3A_102, %get3A_117, %dot_general3A {dimension_numbers = #tpu.dot_dimension_numbers<[1], [0], [0], [1], [0, 0, 1, 1], [], []>, transpose_lhs_hint = false} : vector<2000x128xf32>, vector<128x128xf32>, vector<2000x128xf32> -> vector<2000x128xf32>
    %mul3A_119 = vector.broadcast %get3A_114 : f32 to vector<2000x128xf32>
    %mul3A_120 = arith.mulf %mul3A_119, %dot_general3A_118 : vector<2000x128xf32>
    %sub3A_121 = arith.subf %get3A_1, %mul3A_120 : vector<2000x128xf32>
    %get3A_122 = arith.constant 0 : index
    %get3A_123 = arith.constant 0 : index
    %get3A_124 = vector.load %arg13[%get3A_122, %get3A_123] : memref<1x1xf32, #tpu.memory_space<vmem>>, vector<1x1xf32>
    %get3A_125 = vector.extract %get3A_124[0, 0] : f32 from vector<1x1xf32>
    %get3A_126 = arith.constant 0 : index
    %get3A_127 = arith.constant 0 : index
    %get3A_128 = vector.load %arg9[%get3A_126, %get3A_127] : memref<128x128xf32, #tpu.memory_space<vmem>>, vector<128x128xf32>
    %dot_general3A_129 = arith.constant dense<0.000000e+00> : vector<2000x128xf32>
    %dot_general3A_130 = tpu.matmul %div3A_110, %get3A_128, %dot_general3A_129 {dimension_numbers = #tpu.dot_dimension_numbers<[1], [0], [0], [1], [0, 0, 1, 1], [], []>, transpose_lhs_hint = false} : vector<2000x128xf32>, vector<128x128xf32>, vector<2000x128xf32> -> vector<2000x128xf32>
    %mul3A_131 = vector.broadcast %get3A_125 : f32 to vector<2000x128xf32>
    %mul3A_132 = arith.mulf %mul3A_131, %dot_general3A_130 : vector<2000x128xf32>
    %sub3A_133 = arith.subf %sub3A_121, %mul3A_132 : vector<2000x128xf32>
    %get3A_134 = arith.constant 0 : index
    %get3A_135 = arith.constant 0 : index
    %get3A_136 = vector.load %arg10[%get3A_134, %get3A_135] : memref<128x128xf32, #tpu.memory_space<vmem>>, vector<128x128xf32>
    %dot_general3A_137 = arith.constant dense<0.000000e+00> : vector<2000x128xf32>
    %dot_general3A_138 = tpu.matmul %sub3A_133, %get3A_136, %dot_general3A_137 {dimension_numbers = #tpu.dot_dimension_numbers<[1], [0], [0], [1], [0, 0, 1, 1], [], []>, transpose_lhs_hint = false} : vector<2000x128xf32>, vector<128x128xf32>, vector<2000x128xf32> -> vector<2000x128xf32>
    %get3A_139 = arith.constant 0 : index
    %get3A_140 = arith.constant 0 : index
    %get3A_141 = vector.load %arg11[%get3A_139, %get3A_140] : memref<1x128xf32, #tpu.memory_space<vmem>>, vector<1x128xf32>
    %add3A_142 = vector.broadcast %get3A_141 : vector<1x128xf32> to vector<2000x128xf32>
    %add3A_143 = arith.addf %dot_general3A_138, %add3A_142 : vector<2000x128xf32>
    %max3A_144 = arith.constant 0.000000e+00 : f32
    %max3A_145 = vector.broadcast %max3A_144 : f32 to vector<2000x128xf32>
    %max3A_146 = arith.maximumf %add3A_143, %max3A_145 : vector<2000x128xf32>
    %swap3A = arith.constant 0 : index
    %swap3A_147 = arith.constant 0 : index
    %swap3A_148 = vector.load %arg14[%swap3A, %swap3A_147] : memref<2000x128xf32, #tpu.memory_space<vmem>>, vector<2000x128xf32>
    tpu.vector_store %arg14[%swap3A, %swap3A_147], %max3A_146 {strides = array<i32>} : memref<2000x128xf32, #tpu.memory_space<vmem>>, vector<2000x128xf32>,
    return
  }
  func.func @transform_0(%arg0: i32) -> (i32, i32) {
    %c0_i32 = arith.constant 0 : i32
    %c0_i32_0 = arith.constant 0 : i32
    return %arg0, %c0_i32 : i32, i32
  }
  func.func @transform_1(%arg0: i32) -> (i32, i32, i32) {
    %c0_i32 = arith.constant 0 : i32
    %c0_i32_0 = arith.constant 0 : i32
    %c0_i32_1 = arith.constant 0 : i32
    return %c0_i32, %arg0, %c0_i32_0 : i32, i32, i32
  }
  func.func @transform_2(%arg0: i32) -> (i32, i32, i32) {
    %c1_i32 = arith.constant 1 : i32
    %c0_i32 = arith.constant 0 : i32
    %c0_i32_0 = arith.constant 0 : i32
    return %c1_i32, %arg0, %c0_i32 : i32, i32, i32
  }
  func.func @transform_3(%arg0: i32) -> (i32, i32) {
    %c0_i32 = arith.constant 0 : i32
    %c0_i32_0 = arith.constant 0 : i32
    return %arg0, %c0_i32 : i32, i32
  }
  func.func @transform_4(%arg0: i32) -> (i32, i32) {
    %c0_i32 = arith.constant 0 : i32
    %c0_i32_0 = arith.constant 0 : i32
    return %arg0, %c0_i32 : i32, i32
  }
  func.func @transform_5(%arg0: i32) -> (i32, i32) {
    %c0_i32 = arith.constant 0 : i32
    %c0_i32_0 = arith.constant 0 : i32
    return %arg0, %c0_i32 : i32, i32
  }
  func.func @transform_6(%arg0: i32) -> (i32, i32) {
    %c0_i32 = arith.constant 0 : i32
    %c0_i32_0 = arith.constant 0 : i32
    return %arg0, %c0_i32 : i32, i32
  }
  func.func @transform_7(%arg0: i32) -> (i32, i32) {
    %c0_i32 = arith.constant 0 : i32
    %c0_i32_0 = arith.constant 0 : i32
    %c0_i32_1 = arith.constant 0 : i32
    return %c0_i32, %c0_i32_0 : i32, i32
  }
  func.func @transform_8(%arg0: i32) -> (i32, i32) {
    %c0_i32 = arith.constant 0 : i32
    %c0_i32_0 = arith.constant 0 : i32
    %c0_i32_1 = arith.constant 0 : i32
    return %c0_i32, %c0_i32_0 : i32, i32
  }
  func.func @transform_9(%arg0: i32) -> (i32, i32) {
    %c0_i32 = arith.constant 0 : i32
    %c0_i32_0 = arith.constant 0 : i32
    %c0_i32_1 = arith.constant 0 : i32
    return %c0_i32, %c0_i32_0 : i32, i32
  }
  func.func @transform_10(%arg0: i32) -> (i32, i32) {
    %c0_i32 = arith.constant 0 : i32
    %c0_i32_0 = arith.constant 0 : i32
    %c0_i32_1 = arith.constant 0 : i32
    return %c0_i32, %c0_i32_0 : i32, i32
  }
  func.func @transform_11(%arg0: i32) -> (i32, i32) {
    %c0_i32 = arith.constant 0 : i32
    %c0_i32_0 = arith.constant 0 : i32
    %c0_i32_1 = arith.constant 0 : i32
    return %c0_i32, %c0_i32_0 : i32, i32
  }
  func.func @transform_12(%arg0: i32) -> (i32, i32) {
    %c0_i32 = arith.constant 0 : i32
    %c0_i32_0 = arith.constant 0 : i32
    %c0_i32_1 = arith.constant 0 : i32
    return %c0_i32, %c0_i32_0 : i32, i32
  }
  func.func @transform_13(%arg0: i32) -> (i32, i32) {
    %c0_i32 = arith.constant 0 : i32
    %c0_i32_0 = arith.constant 0 : i32
    return %arg0, %c0_i32 : i32, i32
  }
}

</mosaic_0001>

<sc_bundles>
// kernel: kernel.5.cloned.1.call-start
scs
__scs_entry_jumppad:
0x0: {  	(pc) =	sbr.rel $0x88, $3  }
0x1: {  	(tag) =	ssettag $0x0;
	lr =	simm.s32 $0x1  }
0x2: {  	[smem:$0x3F95] =	sst lr;
	_ =	strace $0xD0000000  }
0x3: {  	_ = 	snop  }
0x4: {  	_ = 	snop  }
0x5: {  	_ = 	snop  }
0x6: {  	_ = 	snop  }
0x7: {  	_ = 	snop  }
__scs_overlays_trampoline_lowered:
0x8: {  	[smem:$0x3FA4] =	sst s0  }
0x9: {  	[smem:$0x3FA5] =	sst s1  }
0xa: {  	[smem:$0x3FA6] =	sst s2  }
0xb: {  	[smem:$0x3FA7] =	sst s3  }
0xc: {  	[smem:$0x3FA8] =	sst s4  }
0xd: {  	[smem:$0x3FA9] =	sst s5  }
0xe: {  	[smem:$0x3FAA] =	sst s6  }
0xf: {  	[smem:$0x3FAB] =	sst s7  }
0x10: {  	[smem:$0x3FAC] =	sst s8  }
0x11: {  	[smem:$0x3FAD] =	sst s9;
	s0 =	simm.s32 @!p0 $0x0  }
0x12: {  	s1 =	sld [smem:$0x3F93];
	s0 =	simm.s32 @p0 $0x1  }
0x13: {  	[smem:$0x3FAE] =	sst s0;
	s0 =	simm.s32 @!p1 $0x0  }
0x14: {  	s2 =	sld [smem:$0x3F92];
	s0 =	simm.s32 @p1 $0x1  }
0x15: {  	[smem:$0x3FAF] =	sst s0;
	s0 =	simm.s32 @!p2 $0x0  }
0x16: {  	s3 =	sld [smem:$0x3FDB];
	s0 =	simm.s32 @p2 $0x1  }
0x17: {  	s4 =	simm.s32 $0x1BF5;
	[smem:$0x3FB1] =	sst s0  }
0x18: {  	s0 =	sld [smem:$0x3F94];
	_ =	swait.ge [sflag:s4], $0x0  }
0x19: {  	s7 =	sld [smem:$0x3F95]  }
0x1a: {  	s8 =	sadd.s32 $0xFFFFE003, lr  }
0x1b: {  	s9 =	sadd.s32 $0xFFFFFEF7, lr;
	s5 =	simm.s32 $0xFFFFFFFF;
	p2 =	slt.u32 s8, $0xFFFFF086  }
0x1c: {  	p1 =	slt.u32 s9, $0xF7A;
	s5 =	simm.s32 @!p2 $0x0  }
0x1d: {  	s5 =	simm.s32 @p1 $0x1;
	p0 =	seq.s32 s7, s2  }
0x1e: {  	s7 =	smul.u32 @!p0 $0xF7A, s2;
	p2 =	seq.s32 @!p0 s5, $0x0  }
0x1f: {  	s9 =	smul.u32 $0xF7A, s1;
	s8 =	simm.s32 @!p0 $0x1BF5;
	p2 =	por !p2, p0  }
0x20: {  	[sflag:s8] =	ssyncset.s32 @!p0 $0xFFFFF086;
	s6 =	sadd.s32 @!p0 s3, s7;
	s7 =	simm.s32 @!p0 $0x108  }
0x21: {  	s3 =	sadd.s32 s3, s9;
	s6 =	sadd.s32 @!p0 $0x88, s6;
	s7 =	simm.s32 @p2 $0x1082  }
0x22: {  	[simem:s7], [sflag:s8] =	dma.local @!p0 [hbm:s6], $0xF7A  }
0x23: {  	s9 =	sor.u32 $0xD0000000, s2;
	s6 =	simm.s32 $0x108;
	_ =	swait.ge @!p0 [sflag:s8], $0x0  }
0x24: {  	s3 =	sadd.s32 $0x88, s3;
	s6 =	simm.s32 @!p1 $0x1082;
	[sflag:s4] =	ssyncset.s32 $0xFFFFF086  }
0x25: {  	[simem:s6], [sflag:s4] =	dma.local [hbm:s3], $0xF7A  }
0x26: {  	[smem:$0x3F95] =	sst s1;
	(tag) =	ssettag s2;
	_ =	strace s9  }
0x27: {  	s1 =	sld [smem:$0x3FA5]  }
0x28: {  	s2 =	sld [smem:$0x3FA6]  }
0x29: {  	s4 =	sld [smem:$0x3FA8]  }
0x2a: {  	p0 =	seq.s32 s5, $0x0;
	s5 =	sld [smem:$0x3FA9]  }
0x2b: {  	s6 =	sld [smem:$0x3FAA]  }
0x2c: {  	s7 =	sld [smem:$0x3FAB]  }
0x2d: {  	s3 =	simm.s32 $0x108;
	s8 =	sld [smem:$0x3FAC]  }
0x2e: {  	s3 =	simm.s32 @!p0 $0x1082;
	s9 =	sld [smem:$0x3FAD]  }
0x2f: {  	lr =	sadd.s32 s0, s3;
	s0 =	sld [smem:$0x3FA4]  }
0x30: {  	s3 =	sld [smem:$0x3FA7]  }
0x31: {  	[smem:$0x3FB0] =	sst s10  }
0x32: {  	s10 =	sld [smem:$0x3FAE];
	_ =	sdelay $0x3  }
0x33: {  	p0 =	seq.s32 s10, $0x1;
	s10 =	sld [smem:$0x3FB0];
	_ =	sdelay $0x3  }
0x34: {  	[smem:$0x3FB0] =	sst s10  }
0x35: {  	s10 =	sld [smem:$0x3FAF];
	_ =	sdelay $0x3  }
0x36: {  	p1 =	seq.s32 s10, $0x1;
	s10 =	sld [smem:$0x3FB0];
	_ =	sdelay $0x3  }
0x37: {  	[smem:$0x3FB0] =	sst s10  }
0x38: {  	s10 =	sld [smem:$0x3FB1]  }
0x39: {  	_ = 	snop;
	(pc) =	sbr.ind lr, $3  }
0x3a: {  	_ = 	snop  }
0x3b: {  	_ = 	snop  }
0x3c: {  	p2 =	seq.s32 s10, $0x1;
	s10 =	sld [smem:$0x3FB0]  }
0x3d: {  	_ =	shalt  }
0x3e: {  	_ =	shalt  }
0x3f: {  	_ =	shalt  }
0x40: {  	_ =	shalt  }
0x41: {  	_ =	shalt  }
0x42: {  	_ =	shalt  }
0x43: {  	_ =	shalt  }
0x44: {  	_ =	shalt  }
0x45: {  	_ =	shalt  }
0x46: {  	_ =	shalt  }
0x47: {  	_ =	shalt  }
0x48: {  	_ =	shalt  }
0x49: {  	_ =	shalt  }
0x4a: {  	_ =	shalt  }
0x4b: {  	_ =	shalt  }
0x4c: {  	_ =	shalt  }
0x4d: {  	_ =	shalt  }
0x4e: {  	_ =	shalt  }
0x4f: {  	_ =	shalt  }
0x50: {  	_ =	shalt  }
0x51: {  	_ =	shalt  }
0x52: {  	_ =	shalt  }
0x53: {  	_ =	shalt  }
0x54: {  	_ =	shalt  }
0x55: {  	_ =	shalt  }
0x56: {  	_ =	shalt  }
0x57: {  	_ =	shalt  }
0x58: {  	_ =	shalt  }
0x59: {  	_ =	shalt  }
0x5a: {  	_ =	shalt  }
0x5b: {  	_ =	shalt  }
0x5c: {  	_ =	shalt  }
0x5d: {  	_ =	shalt  }
0x5e: {  	_ =	shalt  }
0x5f: {  	_ =	shalt  }
0x60: {  	_ =	shalt  }
0x61: {  	_ =	shalt  }
0x62: {  	_ =	shalt  }
0x63: {  	_ =	shalt  }
0x64: {  	_ =	shalt  }
0x65: {  	_ =	shalt  }
0x66: {  	_ =	shalt  }
0x67: {  	_ =	shalt  }
0x68: {  	_ =	shalt  }
0x69: {  	_ =	shalt  }
0x6a: {  	_ =	shalt  }
0x6b: {  	_ =	shalt  }
0x6c: {  	_ =	shalt  }
0x6d: {  	_ =	shalt  }
0x6e: {  	_ =	shalt  }
0x6f: {  	_ =	shalt  }
0x70: {  	_ =	shalt  }
0x71: {  	_ =	shalt  }
0x72: {  	_ =	shalt  }
0x73: {  	_ =	shalt  }
0x74: {  	_ =	shalt  }
0x75: {  	_ =	shalt  }
0x76: {  	_ =	shalt  }
0x77: {  	_ =	shalt  }
0x78: {  	_ =	shalt  }
0x79: {  	_ =	shalt  }
0x7a: {  	_ =	shalt  }
0x7b: {  	_ =	shalt  }
0x7c: {  	_ =	shalt  }
0x7d: {  	_ =	shalt  }
0x7e: {  	_ =	shalt  }
0x7f: {  	_ =	shalt  }
0x80: {  	_ =	shalt  }
0x81: {  	_ =	shalt  }
0x82: {  	_ =	shalt  }
0x83: {  	_ =	shalt  }
0x84: {  	_ =	shalt  }
0x85: {  	_ =	shalt  }
0x86: {  	_ =	shalt  }
0x87: {  	_ =	shalt  }
.Lfunc_end0:
.L_simem_size_0:
called_computation_lowered:
.L_overlay_start_0:
0x88: {  	s2 =	sld [smem:$0x3FD9]  }
0x89: {  	s3 =	sld [smem:$0x3FFE];
	_ =	sdelay $0x1  }
0x8a: {  	s1 =	srdreg.scid  }
0x8b: {  	s0 =	sand.u32 $0x1, s1  }
0x8c: {  	s17 =	sshll.u32 s0, $0xA;
	s2 =	sadd.s32 s3, s2  }
0x8d: {  	s2 =	sadd.s32 s2, s17  }
0x8e: {  	[smem:$0x3FBC] =	sst s2  }
0x8f: {  	_ = 	snop  }
0x90: {  	s2 =	sld [smem:$0x3FD0];
	(tm) =	ssettm $0x1  }
0x91: {  	s18 =	sld [smem:$0x3FFB];
	_ =	sdelay $0x3  }
0x92: {  	_ =	strace s18  }
0x93: {  	s3 =	sld [smem:$0x3FFC];
	_ =	sdelay $0x3  }
0x94: {  	_ =	strace s3  }
0x95: {  	s3 =	sld [smem:$0x3FFD];
	_ =	sdelay $0x3  }
0x96: {  	_ =	strace s3  }
0x97: {  	_ =	strace $0x8FFFFFFF  }
0x98: {  	s19 =	sld [smem:$0x3FDB];
	_ =	sdelay $0x1  }
0x99: {  	s4 =	simm.s32 $_scs_section_size  }
0x9a: {  	s5 =	simm.s32 $_size__tile_overlayer_lowered;
	s6 =	simm.s32 $_tile_overlayer_lowered  }
0x9b: {  	s22 =	simm.s32 $0x1BFF;
	s21 =	sshll.u32 s6, $0x1;
	s3 =	sadd.s32 s4, s19  }
0x9c: {  	s7 =	simm.s32 $0x0;
	s20 =	sshll.u32 s5, $0x1;
	s5 =	sadd.s32 s21, s3  }
0x9d: {  	[timem:s7], [sflag:s22] =	dma.local [hbm:s5], s20  }
0x9e: {  	_ =	swait.ge [sflag:s22], s20  }
0x9f: {  	s4 =	ssub.s32 $0x0, s20;
	[sflag:s22] =	ssyncset.done $0x0  }
0xa0: {  	[sflag:s22] =	ssyncadd.s32 s4;
	_ =	sdelay $0x1  }
0xa1: {  	s23 =	simm.s32 $0x1B8B  }
0xa2: {  	_ =	swait.ge [sflag:s23], $0x1  }
0xa3: {  	[sflag:s23] =	ssyncset.done $0x0  }
0xa4: {  	s25 =	simm.s32 $0x1B8E;
	s24 =	sld [smem:$0x3FFE];
	[sflag:s23] =	ssyncadd.s32 $0xFFFFFFFF  }
0xa5: {  	s26 =	simm.s32 $execute0_lowered;
	[smem:$0x3FD2] =	sst s25  }
0xa6: {  	s5 =	sshll.u32 s26, $0x1;
	_ =	strace $0x80000046;
	[dreg:$0x1] =	wrdreg $0xFFFFFFFF  }
0xa7: {  	s28 =	simm.s32 $_size_execute0_lowered;
	s3 =	sadd.s32 s3, s5;
	[dreg:$0x0] =	wrdreg $0x0  }
0xa8: {  	s5 =	sshll.u32 s28, $0x1;
	[dreg:$0x2] =	wrdreg s3  }
0xa9: {  	[dreg:$0x3] =	wrdreg s5  }
0xaa: {  	[dreg:$0x4] =	wrdreg $0xC0  }
0xab: {  	_ =	task [dreg:s7], $0x5FFFF  }
0xac: {  	[dreg:$0x1] =	wrdreg $0xFFFFFFFF  }
0xad: {  	[dreg:$0x0] =	wrdreg $0x60  }
0xae: {  	[dreg:$0x2] =	wrdreg s24  }
0xaf: {  	[dreg:$0x3] =	wrdreg s2  }
0xb0: {  	[dreg:$0x4] =	wrdreg $0x98800  }
0xb1: {  	[dreg:$0x5] =	wrdreg $0x9  }
0xb2: {  	_ =	task.clear_ibuf [dreg:s7], $0x6FFFF;
	_ =	strace $0x90000046  }
0xb3: {  	s29 =	simm.s32 $0x9;
	_ =	strace $0x80000048  }
0xb4: {  	_ =	swait.ge [sflag:s29], $0x1  }
0xb5: {  	[sflag:s29] =	ssyncadd.s32 $0xFFFFFFFF  }
0xb6: {  	_ =	strace $0x90000048  }
0xb7: {  	_ =	sfence  }
0xb8: {  	s30 =	sld [smem:$0x0];
	_ =	sdelay $0x2  }
0xb9: {  	s31 =	sshll.u32 s1, $0xD;
	s1 =	sshrl.u32 s1, $0x2  }
0xba: {  	s3 =	sand.u32 $0x4000, s31;
	s1 =	sadd.s32 s1, s30  }
0xbb: {  	s0 =	sor.u32 s3, s0;
	s1 =	sshll.u32 s1, $0x11  }
0xbc: {  	s0 =	sor.u32 s1, s0  }
0xbd: {  	s0 =	sadd.s32 $0x8F2B, s0  }
0xbe: {  	[sflag:s0] =	ssyncadd.remote.s32 $0x1  }
0xbf: {  	_ =	sfence.sel $0xFFFF  }
0xc0: {  	[dreg:$0x0] =	wrdreg $0xFFFFFFFF;
	(pc) =	sbr.abs _section_cstart, $3  }
0xc1: {  	[dreg:$0x1] =	wrdreg $0xFFFFFFFF  }
0xc2: {  	_ =	task.clear_ibuf [dreg:s7], $0x2FFFF;
	_ =	strace $0x9FFFFFFF  }
0xc3: {  	(tm) =	ssettm $0x7FFFFFFF  }
tec
execute0_lowered:
.L_overlay_start_1:
0x0: {  	(tag) =	ssettag $0x1  }
0x1: {  	s0 =	rddreg [dreg:$0x0]  }
0x2: {  	s2 =	rddreg [dreg:$0x2];
	s1 =	srdreg.scid;
	s3 =	simm.s32 $0x0  }
0x3: {  	s9 =	stileid.u32;
	s11 =	simm.s32 $0x1;
	s13 =	simm.s32 $0x400  }
0x4: {  	s14 =	simm.s32 $0x80;
	s16 =	simm.s32 $0x5000;
	s17 =	simm.s32 $0x800  }
0x5: {  	s28 =	simm.s32 $0x200;
	s29 =	simm.s32 $0x280;
	s7 =	smul.u32 $0x59040, s9  }
0x6: {  	s30 =	simm.s32 $0x300;
	s31 =	simm.s32 $0x380;
	s20 =	smul.u32 $0x1400, s9  }
0x7: {  	s1 =	sand.u32 $0x1, s1;
	s21 =	sshll.u32 s9, $0x6;
	s9 =	smul.u32 $0x15F90, s9  }
0x8: {  	[smem:$0x7FF] =	sst s3;
	s5 =	sadd.s32 $0xC4800, s0;
	s4 =	smul.u32 $0x14000, s1  }
0x9: {  	_ =	strace $0x80000047;
	s6 =	smul.u32 $0x2BF20, s1;
	s1 =	ssub.s32 $0x2, s1  }
0xa: {  	s25 =	sor.u32 $0x1C07, s21;
	s21 =	simm.s32 $0x100;
	s18 =	sshrl.u32 s1, $0x1  }
0xb: {  	s19 =	sshrl.u32 s7, $0x2;
	s10 =	sor.u32 $0x80, s20;
	s12 =	sshrl.u32 s9, $0x3  }
0xc: {  	s15 =	sadd.s32 s9, s2;
	s7 =	simm.s32 $0x600;
	[dreg:$0x4] =	wrdreg s25  }
0xd: {  	s4 =	sadd.s32 s4, s0;
	s0 =	sadd.s32 s6, s0;
	s1 =	ssub.s32 s1, s18  }
0xe: {  	s8 =	sadd.s32 s19, s2;
	s19 =	simm.s32 $0x3;
	s26 =	sshrl.u32 s15, $0x3  }
0xf: {  	s15 =	simm.s32 $0x580;
	s4 =	sadd.s32 $0x28400, s4;
	s0 =	sadd.s32 $0x50400, s0  }
0x10: {  	s1 =	smax.u32 s1, $0x1;
	s22 =	sshrl.u32 s8, $0x3;
	[dreg:$0xa] =	wrdreg s26  }
0x11: {  	s26 =	simm.s32 $0x5;
	s8 =	simm.s32 $0x680;
	[dreg:$0x5] =	wrdreg s1  }
0x12: {  	[dreg:$0x6] =	wrdreg s22;
	s23 =	sadd.s32 s20, s4;
	s24 =	sadd.s32 s4, s10  }
.Ltmp0:
0x13: {  	s18 =	sadd.s32 s4, s20;
	s20 =	simm.s32 $0x6;
	(pc) =	sbr.rel .LBB2_1-.Ltmp0, $4  }
0x14: {  	v7 =	vlaneseq.u32;
	s22 =	simm.s32 $0x4;
	s0 =	sadd.s32 s12, s0;
	[dreg:$0x7] =	wrdreg s23  }
0x15: {  	v0 =	vor.u32 $0x2710, v7;
	v1 =	vor.u32 $0x2720, v7;
	s4 =	simm.s32 $0x480;
	s1 =	simm.s32 $0x500;
	[dreg:$0x8] =	wrdreg s24  }
0x16: {  	v2 =	vor.u32 $0x2730, v7;
	v3 =	vor.u32 $0x2740, v7;
	v4 =	vor.u32 $0x2750, v7;
	s10 =	simm.s32 $0x700;
	s12 =	simm.s32 $0x780;
	[dreg:$0x9] =	wrdreg s0  }
0x17: {  	v5 =	vor.u32 $0x2760, v7;
	v6 =	vor.u32 $0x2770, v7;
	v7 =	vor.u32 $0x2780, v7;
	s24 =	simm.s32 $0x180;
	s0 =	simm.s32 $0x2;
	s23 =	simm.s32 $0x0  }
.LBB2_4:
0x18: {  	_ =	swait.ge [sflag:s20], $0x4800  }
0x19: {  	[sflag:s20] =	ssyncset.done $0x0  }
0x1a: {  	[sflag:s20] =	ssyncadd.s32 $0xFFFFB800  }
0x1b: {  	[bflag:$0x0] =	sbarrier.arrive $0xFFFF  }
0x1c: {  	s25 =	rddreg [dreg:$0x4]  }
0x1d: {  	s6 =	rddreg [dreg:$0x9]  }
0x1e: {  	s9 =	rddreg [dreg:$0xa]  }
0x1f: {  	[hbm:s6], [sflag:s25] =	dma.local [spmem:s9], $0x2BF2  }
0x20: {  	s9 =	simm.s32 $0x7  }
0x21: {  	_ =	swait.ge [sflag:s9], $0x2BF2  }
0x22: {  	s23 =	sadd.s32 $0x1, s23;
	s6 =	rddreg [dreg:$0x5]  }
0x23: {  	p0 =	sne.s32 s23, s6  }
.Ltmp1:
0x24: {  	_ = 	snop;
	(pc) =	sbr.rel @!p0 .LBB2_5-.Ltmp1, $3  }
0x25: {  	_ =	sdelay $0x1  }
0x26: {  	[sflag:s9] =	ssyncset.done $0x0  }
0x27: {  	[sflag:s9] =	ssyncadd.s32 $0xFFFFD40E  }
.LBB2_1:
0x28: {  	[dreg:$0xb] =	wrdreg s23  }
0x29: {  	s6 =	rddreg [dreg:$0x1]  }
0x2a: {  	s23 =	simm.s32 $0x7;
	s9 =	rddreg [dreg:$0x6]  }
0x2b: {  	[spmem:s9], [sflag:s25] =	dma.local [hbm:s6], $0x2C82  }
0x2c: {  	_ =	swait.ge [sflag:s23], $0x2C82  }
0x2d: {  	[sflag:s23] =	ssyncset.done $0x0  }
0x2e: {  	[sflag:s23] =	ssyncadd.s32 $0xFFFFD37E  }
0x2f: {  	[tilespmem:$0x9800] =	vst v0  }
0x30: {  	[tilespmem:$0x9810] =	vst v1  }
0x31: {  	[tilespmem:$0x9820] =	vst v2  }
0x32: {  	[tilespmem:$0x9830] =	vst v3  }
0x33: {  	[tilespmem:$0x9840] =	vst v4  }
0x34: {  	[tilespmem:$0x9850] =	vst v5  }
0x35: {  	[tilespmem:$0x9860] =	vst v6  }
0x36: {  	[tilespmem:$0x9870] =	vst v7  }
0x37: {  	s23 =	rddreg [dreg:$0xb];
	[bflag:$0x0] =	sbarrier.arrive $0xFFFF  }
0x38: {  	s25 =	rddreg [dreg:$0x7]  }
0x39: {  	[tilespmem:s3], [sflag:$0x1] =	stream.linear.gather [hbm4b:s25+s3], $0x400, $0x38;
	[tilespmem:$0x1FC90] =	vst v63  }
0x3a: {  	_ =	swait.ge [sflag:s11], $0x400  }
0x3b: {  	[sflag:s11] =	ssyncset.done $0x0  }
0x3c: {  	s9 =	rddreg [dreg:$0x8];
	[sflag:s11] =	ssyncadd.s32 $0xFFFFFC00  }
0x3d: {  	[tilespmem:s13], [sflag:$0x2] =	stream.linear.gather [hbm4b:s9+s3], $0x400, $0x38;
	[tilespmem:$0x1FC90] =	vst v63  }
0x3e: {  	s25 =	simm.s32 $0x9800  }
0x3f: {  	[spmem:s2] =	stream.indirect.scatter.add.f32 [tilespmem:s16], [sflag:$0x6], $0x90, s25, s14, $0xb8;
	[tilespmem:$0x1FC90] =	vst v63  }
0x40: {  	s25 =	simm.s32 $0xFFFFED00  }
0x41: {  	[tilespmem:s17], [sflag:$0x3] =	stream.indirect.gather [hbm4b:s5+s14], $0x90, s3, s14, $0xb8;
	[tilespmem:$0x1FC90] =	vst v63  }
.LBB2_2:
0x42: {  	_ =	swait.ge [sflag:s19], $0x4800  }
0x43: {  	[sflag:s19] =	ssyncset.done $0x0  }
0x44: {  	[sflag:s19] =	ssyncadd.s32 $0xFFFFB800  }
0x45: {  	[spmem:s2] =	stream.indirect.scatter.add.f32 [tilespmem:s17], [sflag:$0x5], $0x90, s14, s14, $0xb8;
	[tilespmem:$0x1FC90] =	vst v63  }
0x46: {  	_ =	swait.ge [sflag:s20], $0x4800  }
0x47: {  	[sflag:s20] =	ssyncset.done $0x0  }
0x48: {  	[sflag:s20] =	ssyncadd.s32 $0xFFFFB800  }
0x49: {  	[tilespmem:s16], [sflag:$0x4] =	stream.indirect.gather [hbm4b:s5+s14], $0x90, s21, s14, $0xb8;
	[tilespmem:$0x1FC90] =	vst v63  }
0x4a: {  	_ =	swait.ge [sflag:s22], $0x4800  }
0x4b: {  	[sflag:s22] =	ssyncset.done $0x0  }
0x4c: {  	[sflag:s22] =	ssyncadd.s32 $0xFFFFB800  }
0x4d: {  	[spmem:s2] =	stream.indirect.scatter.add.f32 [tilespmem:s16], [sflag:$0x6], $0x90, s24, s14, $0xb8;
	[tilespmem:$0x1FC90] =	vst v63  }
0x4e: {  	_ =	swait.ge [sflag:s26], $0x4800  }
0x4f: {  	[sflag:s26] =	ssyncset.done $0x0  }
0x50: {  	[sflag:s26] =	ssyncadd.s32 $0xFFFFB800  }
0x51: {  	[tilespmem:s17], [sflag:$0x3] =	stream.indirect.gather [hbm4b:s5+s14], $0x90, s28, s14, $0xb8;
	[tilespmem:$0x1FC90] =	vst v63  }
0x52: {  	_ =	swait.ge [sflag:s19], $0x4800  }
0x53: {  	[sflag:s19] =	ssyncset.done $0x0  }
0x54: {  	[sflag:s19] =	ssyncadd.s32 $0xFFFFB800  }
0x55: {  	[spmem:s2] =	stream.indirect.scatter.add.f32 [tilespmem:s17], [sflag:$0x5], $0x90, s29, s14, $0xb8;
	[tilespmem:$0x1FC90] =	vst v63  }
0x56: {  	_ =	swait.ge [sflag:s20], $0x4800  }
0x57: {  	[sflag:s20] =	ssyncset.done $0x0  }
0x58: {  	[sflag:s20] =	ssyncadd.s32 $0xFFFFB800  }
0x59: {  	[tilespmem:s16], [sflag:$0x4] =	stream.indirect.gather [hbm4b:s5+s14], $0x90, s30, s14, $0xb8;
	[tilespmem:$0x1FC90] =	vst v63  }
0x5a: {  	_ =	swait.ge [sflag:s22], $0x4800  }
0x5b: {  	[sflag:s22] =	ssyncset.done $0x0  }
0x5c: {  	[sflag:s22] =	ssyncadd.s32 $0xFFFFB800  }
0x5d: {  	[spmem:s2] =	stream.indirect.scatter.add.f32 [tilespmem:s16], [sflag:$0x6], $0x90, s31, s14, $0xb8;
	[tilespmem:$0x1FC90] =	vst v63  }
0x5e: {  	_ =	swait.ge [sflag:s26], $0x4800  }
0x5f: {  	[sflag:s26] =	ssyncset.done $0x0  }
0x60: {  	[sflag:s26] =	ssyncadd.s32 $0xFFFFB800  }
0x61: {  	_ =	swait.ge [sflag:s0], $0x400  }
0x62: {  	p0 =	seq.s32 s25, $0x0;
	[sflag:s0] =	ssyncset.done $0x0  }
0x63: {  	s6 =	sadd.s32 @!p0 s25, s18;
	[sflag:s0] =	ssyncadd.s32 $0xFFFFFC00  }
0x64: {  	[tilespmem:s17], [sflag:$0x3] =	stream.indirect.gather [hbm4b:s5+s14], $0x90, s13, s14, $0xb8;
	[tilespmem:$0x1FC90] =	vst v63  }
0x65: {  	s9 =	simm.s32 @!p0 $0x0;
	s6 =	sadd.s32 @!p0 $0x1400, s6  }
0x66: {  	[tilespmem:s9], [sflag:$0x1] =	stream.linear.gather @!p0 [hbm4b:s6+s9], $0x400, $0x38;
	[tilespmem:$0x1FC90] =	vst v63  }
0x67: {  	_ =	swait.ge [sflag:s19], $0x4800  }
0x68: {  	[sflag:s19] =	ssyncset.done $0x0  }
0x69: {  	[sflag:s19] =	ssyncadd.s32 $0xFFFFB800  }
0x6a: {  	[spmem:s2] =	stream.indirect.scatter.add.f32 [tilespmem:s17], [sflag:$0x5], $0x90, s4, s14, $0xb8;
	[tilespmem:$0x1FC90] =	vst v63  }
0x6b: {  	_ =	swait.ge [sflag:s20], $0x4800  }
0x6c: {  	[sflag:s20] =	ssyncset.done $0x0  }
0x6d: {  	[sflag:s20] =	ssyncadd.s32 $0xFFFFB800  }
0x6e: {  	[tilespmem:s16], [sflag:$0x4] =	stream.indirect.gather [hbm4b:s5+s14], $0x90, s1, s14, $0xb8;
	[tilespmem:$0x1FC90] =	vst v63  }
0x6f: {  	_ =	swait.ge [sflag:s22], $0x4800  }
0x70: {  	[sflag:s22] =	ssyncset.done $0x0  }
0x71: {  	[sflag:s22] =	ssyncadd.s32 $0xFFFFB800  }
0x72: {  	[spmem:s2] =	stream.indirect.scatter.add.f32 [tilespmem:s16], [sflag:$0x6], $0x90, s15, s14, $0xb8;
	[tilespmem:$0x1FC90] =	vst v63  }
0x73: {  	_ =	swait.ge [sflag:s26], $0x4800  }
0x74: {  	[sflag:s26] =	ssyncset.done $0x0  }
0x75: {  	[sflag:s26] =	ssyncadd.s32 $0xFFFFB800  }
0x76: {  	[tilespmem:s17], [sflag:$0x3] =	stream.indirect.gather [hbm4b:s5+s14], $0x90, s7, s14, $0xb8;
	[tilespmem:$0x1FC90] =	vst v63  }
0x77: {  	_ =	swait.ge [sflag:s19], $0x4800  }
0x78: {  	[sflag:s19] =	ssyncset.done $0x0  }
0x79: {  	[sflag:s19] =	ssyncadd.s32 $0xFFFFB800  }
0x7a: {  	[spmem:s2] =	stream.indirect.scatter.add.f32 [tilespmem:s17], [sflag:$0x5], $0x90, s8, s14, $0xb8;
	[tilespmem:$0x1FC90] =	vst v63  }
0x7b: {  	_ =	swait.ge [sflag:s20], $0x4800  }
0x7c: {  	[sflag:s20] =	ssyncset.done $0x0  }
0x7d: {  	[sflag:s20] =	ssyncadd.s32 $0xFFFFB800  }
0x7e: {  	[tilespmem:s16], [sflag:$0x4] =	stream.indirect.gather [hbm4b:s5+s14], $0x90, s10, s14, $0xb8;
	[tilespmem:$0x1FC90] =	vst v63  }
0x7f: {  	_ =	swait.ge [sflag:s22], $0x4800  }
0x80: {  	[sflag:s22] =	ssyncset.done $0x0  }
.Ltmp2:
0x81: {  	[sflag:s22] =	ssyncadd.s32 $0xFFFFB800;
	(pc) =	sbr.rel @p0 .LBB2_4-.Ltmp2, $4  }
0x82: {  	[spmem:s2] =	stream.indirect.scatter.add.f32 [tilespmem:s16], [sflag:$0x6], $0x90, s12, s14, $0xb8;
	[tilespmem:$0x1FC90] =	vst v63  }
0x83: {  	_ =	swait.ge [sflag:s26], $0x4800  }
0x84: {  	[sflag:s26] =	ssyncset.done $0x0  }
0x85: {  	[sflag:s26] =	ssyncadd.s32 $0xFFFFB800  }
0x86: {  	_ =	swait.ge [sflag:s11], $0x400  }
.Ltmp3:
0x87: {  	[sflag:s11] =	ssyncset.done $0x0;
	(pc) =	sbr.rel .LBB2_2-.Ltmp3, $4  }
0x88: {  	s6 =	sadd.s32 s25, s18;
	[sflag:s11] =	ssyncadd.s32 $0xFFFFFC00  }
0x89: {  	[tilespmem:s17], [sflag:$0x3] =	stream.indirect.gather [hbm4b:s5+s14], $0x90, s3, s14, $0xb8;
	[tilespmem:$0x1FC90] =	vst v63  }
0x8a: {  	s25 =	sadd.s32 $0x100, s25;
	s6 =	sadd.s32 $0x1480, s6  }
0x8b: {  	[tilespmem:s13], [sflag:$0x2] =	stream.linear.gather [hbm4b:s6+s3], $0x400, $0x38;
	[tilespmem:$0x1FC90] =	vst v63  }
.LBB2_5:
0x8c: {  	_ =	sfence.sel $0x180000  }
0x8d: {  	[bflag:$0x0] =	sbarrier.arrive $0xFFFF  }
0x8e: {  	_ =	strace $0x90000047  }
0x8f: {  	s0 =	stileid.u32;
	[bflag:$0x2] =	sbarrier.arrive $0xFFFF  }
0x90: {  	p0 =	sne.s32 s0, $0x0;
	s0 =	rddreg [dreg:$0x3]  }
0x91: {  	s0 =	sadd.s32 @!p0 $0x100000, s0  }
0x92: {  	[sflag:s0] =	ssyncadd.tile.s32 @!p0 $0x1;
	_ =	shalt  }
.Lfunc_end2:
_tile_overlayer_lowered:
.L_overlay_start_2:
0x93: {  	(tag) =	ssettag $0x2  }
0x94: {  	s0 =	rddreg [dreg:$0x0];
	s2 =	stileid.u32  }
0x95: {  	s1 =	rddreg [dreg:$0x1];
	p0 =	sne.s32 s2, $0x0  }
0x96: {  	s3 =	rddreg [dreg:$0x2];
	[bflag:$0x3] =	sbarrier.arrive $0xFFFF;
	s2 =	simm.s32 @!p0 $0x1C07  }
0x97: {  	[timem:s3], [sflag:s2] =	dma.local @!p0 [hbm:s0], s1  }
0x98: {  	s0 =	simm.s32 @!p0 $0x7  }
0x99: {  	_ =	swait.ge @!p0 [sflag:s0], s1  }
0x9a: {  	s1 =	ssub.s32 @!p0 $0x0, s1;
	[sflag:s0] =	ssyncset.done @!p0 $0x0  }
0x9b: {  	[sflag:s0] =	ssyncadd.s32 @!p0 s1  }
0x9c: {  	[bflag:$0x3] =	sbarrier.arrive $0xFFFF  }
0x9d: {  	_ =	shalt  }

</sc_bundles>
